<compile_context>
chip_gen: v7x
topology: tpu7x:2x2x1
jax: 0.10.2.dev20260603
libtpu: 0.0.44.dev20260713+nightly
codegen_flags: <defaults>
</compile_context>

<pallas_src>
import functools

import jax
import jax.numpy as jnp
from jax import lax
from jax.experimental import pallas as pl
from jax.experimental.pallas import tpu as pltpu
from jax.experimental.pallas import tpu_sc as plsc

N = 10000
K = 16
C = 128
NG = 32
NO = 64
FE = 16
KR = 0.2
B = 400
BK = B * K
GRID = N // B
S = 1
SN = N // S
SE = SN * K
SGRID = SN // B

_NC = 2
_NS = 16
_NW = _NC * _NS
_CHUNK = 128


def _sc_gather(table, idx, d, dtype=jnp.float32):
    n_idx = idx.shape[0]
    n_chunks = n_idx // _CHUNK
    nfull = n_chunks // _NW
    extra = n_chunks - nfull * _NW
    mesh = plsc.VectorSubcoreMesh(core_axis_name="c", subcore_axis_name="s")

    @functools.partial(
        pl.kernel,
        mesh=mesh,
        out_type=jax.ShapeDtypeStruct((n_idx, d), dtype),
        scratch_types=[
            pltpu.VMEM(((nfull + 1) * _CHUNK,), jnp.int32),
            pltpu.VMEM((_CHUNK, d), dtype),
            pltpu.VMEM((_CHUNK, d), dtype),
            pltpu.SemaphoreType.DMA,
            pltpu.SemaphoreType.DMA,
        ],
        compiler_params=pltpu.CompilerParams(use_tc_tiling_on_sc=(d % 128 == 0)),
    )
    def gather_kernel(table_hbm, idx_hbm, out_hbm, idx_v, buf0, buf1, g0, g1):
        wid = lax.axis_index("s") * _NC + lax.axis_index("c")
        start = wid * nfull + jnp.minimum(wid, extra)
        base = start * _CHUNK

        pltpu.sync_copy(idx_hbm.at[pl.ds(base, nfull * _CHUNK)],
                        idx_v.at[pl.ds(0, nfull * _CHUNK)])

        @pl.when(wid < extra)
        def _():
            pltpu.sync_copy(
                idx_hbm.at[pl.ds(base + nfull * _CHUNK, _CHUNK)],
                idx_v.at[pl.ds(nfull * _CHUNK, _CHUNK)])

        def start_gather(j, buf, sem):
            return pltpu.async_copy(
                table_hbm.at[idx_v.at[pl.ds(j * _CHUNK, _CHUNK)]], buf, sem)

        def writeback(j, buf):
            pltpu.sync_copy(buf, out_hbm.at[pl.ds(base + j * _CHUNK, _CHUNK)])

        start_gather(0, buf0, g0)

        def body(k, carry):
            ja = 2 * k + 1
            jb = 2 * k + 2
            start_gather(ja, buf1, g1)
            pltpu.make_async_copy(table_hbm, buf0, g0).wait()
            writeback(ja - 1, buf0)
            start_gather(jb, buf0, g0)
            pltpu.make_async_copy(table_hbm, buf1, g1).wait()
            writeback(ja, buf1)
            return carry

        lax.fori_loop(0, (nfull - 1) // 2, body, 0)

        @pl.when(wid < extra)
        def _():
            start_gather(nfull, buf1, g1)

        pltpu.make_async_copy(table_hbm, buf0, g0).wait()
        writeback(nfull - 1, buf0)

        @pl.when(wid < extra)
        def _():
            pltpu.make_async_copy(table_hbm, buf1, g1).wait()
            writeback(nfull, buf1)

    return gather_kernel(table, idx)


def _full(shape):
    return pl.BlockSpec(shape, lambda i: (0, 0))


def _tc1(s0, coord16, cn, feat, dirs16, sig2inv, cvx_smT, W_enc, b_enc, W1,
         b1, W2, b2):
    kfac = 1.0 / (2.0 * KR * KR)

    def body(coord_r, cn_r, feat_r, dirs_r, s2i_r, cvx_r, we_r, be_r, w1_r,
             bb1_r, w2_r, bb2_r, rel_o, x_o, st_o):
        i = pl.program_id(0)
        rel3 = cn_r[...] - coord_r[...][None, :, :]
        rel_o[...] = rel3.astype(jnp.bfloat16)
        rel = rel3.reshape(K * B, 16)
        d2 = jnp.sum(rel * rel, axis=1, keepdims=True)
        proj = jnp.dot(rel, dirs_r[...], preferred_element_type=jnp.float32)
        resp = jnp.exp(-(proj * proj) * s2i_r[...] - d2 * kfac)
        gib = jnp.mean(resp.reshape(K, B, NG), axis=0)
        obs = jnp.dot(gib, cvx_r[...], preferred_element_type=jnp.float32)
        feat = feat_r[...]
        fenc = jnp.dot(feat, we_r[...], preferred_element_type=jnp.float32) + be_r[...]
        g = jnp.concatenate([fenc, obs], axis=1)
        h = jax.nn.gelu(jnp.dot(g, w1_r[...], preferred_element_type=jnp.float32) + bb1_r[...])
        g2 = jnp.dot(h, w2_r[...], preferred_element_type=jnp.float32) + bb2_r[...]
        x = feat + g2
        x_o[...] = x

        @pl.when(i == 0)
        def _():
            st_o[...] = jnp.zeros((8, C), jnp.float32)

        upd = jnp.concatenate(
            [jnp.sum(x, axis=0, keepdims=True),
             jnp.sum(x * x, axis=0, keepdims=True),
             jnp.zeros((6, C), jnp.float32)], axis=0)
        st_o[...] += upd

    return pl.pallas_call(
        body,
        grid=(SGRID,),
        in_specs=[
            pl.BlockSpec((B, 16), lambda i: (s0 * SGRID + i, 0)),
            pl.BlockSpec((K, B, 16), lambda i: (0, i, 0)),
            pl.BlockSpec((B, C), lambda i: (s0 * SGRID + i, 0)),
            _full((16, NG)), _full((1, NG)), _full((NG, NO)),
            _full((C, FE)), _full((1, FE)),
            _full((FE + NO, FE + NO)), _full((1, FE + NO)),
            _full((FE + NO, C)), _full((1, C)),
        ],
        out_specs=[
            pl.BlockSpec((K, B, 16), lambda i: (0, i, 0)),
            pl.BlockSpec((B, C), lambda i: (i, 0)),
            _full((8, C)),
        ],
        out_shape=[
            jax.ShapeDtypeStruct((K, SN, 16), jnp.bfloat16),
            jax.ShapeDtypeStruct((SN, C), jnp.float32),
            jax.ShapeDtypeStruct((8, C), jnp.float32),
        ],
        compiler_params=pltpu.CompilerParams(
            dimension_semantics=("arbitrary",)),
    )(coord16, cn, feat, dirs16, sig2inv, cvx_smT, W_enc, b_enc, W1, b1,
      W2, b2)


def _tc2(x, st1, g1, be1, Wl1, bl1, WqA, WkA, ba1, Wv, bp2A, bp2):
    def body(x_r, st_r, g_r, be_r, wl_r, bl_r, wq_r, wk_r, ba_r, wv_r,
             bp2a_r, bp2_r, xn_o, qa_o, kv_o):
        st = st_r[...]
        m = st[0:1] * (1.0 / N)
        var = st[1:2] * (1.0 / N) - m * m
        sc = g_r[...] * lax.rsqrt(var + 1e-5)
        sh = be_r[...] - m * sc
        xn = jax.nn.gelu(x_r[...] * sc + sh)
        xn_o[...] = xn
        y = jnp.dot(xn, wl_r[...], preferred_element_type=jnp.float32) + bl_r[...]
        qa_o[...] = jnp.dot(y, wq_r[...], preferred_element_type=jnp.float32) - bp2a_r[...]
        ka = jnp.dot(y, wk_r[...], preferred_element_type=jnp.float32) + ba_r[...]
        v = jnp.dot(y, wv_r[...], preferred_element_type=jnp.float32) + bp2_r[...]
        ua = lax.bitcast_convert_type(ka, jnp.uint32) + jnp.uint32(0x8000)
        uv = lax.bitcast_convert_type(v, jnp.uint32) + jnp.uint32(0x8000)
        packed = (ua & jnp.uint32(0xFFFF0000)) | (uv >> jnp.uint32(16))
        kv_o[...] = lax.bitcast_convert_type(packed, jnp.int32)

    return pl.pallas_call(
        body,
        grid=(GRID,),
        in_specs=[
            pl.BlockSpec((B, C), lambda i: (i, 0)),
            _full((8, C)), _full((1, C)), _full((1, C)),
            _full((C, C)), _full((1, C)),
            _full((C, C)), _full((C, C)), _full((1, C)), _full((C, C)),
            _full((1, C)), _full((1, C)),
        ],
        out_specs=[
            pl.BlockSpec((B, C), lambda i: (i, 0)),
            pl.BlockSpec((B, C), lambda i: (i, 0)),
            pl.BlockSpec((B, C), lambda i: (i, 0)),
        ],
        out_shape=[
            jax.ShapeDtypeStruct((N, C), jnp.float32),
            jax.ShapeDtypeStruct((N, C), jnp.float32),
            jax.ShapeDtypeStruct((N, C), jnp.int32),
        ],
        compiler_params=pltpu.CompilerParams(
            dimension_semantics=("arbitrary",)),
    )(x, st1, g1, be1, Wl1, bl1, WqA, WkA, ba1, Wv, bp2A, bp2)


def _tc3(s0, kvn, rel16, qA, xn, Wp1p, bp1p, Wp2p, Wp2Ap, Wa2,
         Wl2, bl2, Ws1, bs1, Ws2, bs2):
    def body(kvn_r, rel_r, qa_r, xn_r, wp1_r, bp1_r, wp2_r, wp2a_r,
             wa2_r, wl2_r, bl2_r, ws1_r, bs1_r, ws2_r, bs2_r,
             s_o, st_o):
        i = pl.program_id(0)
        rel = rel_r[...].reshape(K * B, 16)
        e = jax.nn.relu(jnp.dot(rel, wp1_r[...], preferred_element_type=jnp.float32)
                        + bp1_r[...]).astype(jnp.bfloat16)
        pos = jnp.dot(e, wp2_r[...],
                      preferred_element_type=jnp.float32).reshape(K, B, C)
        posA = jnp.dot(e, wp2a_r[...], preferred_element_type=jnp.float32
                       ).astype(jnp.bfloat16).reshape(K, B, C)
        u = lax.bitcast_convert_type(kvn_r[...], jnp.uint32)
        kan = lax.bitcast_convert_type(
            u & jnp.uint32(0xFFFF0000), jnp.float32).astype(jnp.bfloat16)
        vn = lax.bitcast_convert_type(u << jnp.uint32(16), jnp.float32)
        qab = qa_r[...].astype(jnp.bfloat16)
        w1 = jax.nn.relu(kan - qab[None, :, :] + posA)
        w3 = jnp.dot(w1.reshape(K * B, C), wa2_r[...],
                     preferred_element_type=jnp.float32).reshape(K, B, C)
        m = jnp.max(w3, axis=0, keepdims=True)
        ew = jnp.exp(w3 - m)
        ssum = jnp.sum(ew, axis=0)
        z = vn + pos
        agg = jnp.sum(ew * z, axis=0) / ssum
        x2 = jax.nn.relu(
            xn_r[...] + jnp.dot(agg, wl2_r[...], preferred_element_type=jnp.float32) + bl2_r[...])
        h = jax.nn.gelu(jnp.dot(x2, ws1_r[...], preferred_element_type=jnp.float32) + bs1_r[...])
        s = jnp.dot(h, ws2_r[...], preferred_element_type=jnp.float32) + bs2_r[...]
        s_o[...] = s

        @pl.when(i == 0)
        def _():
            st_o[...] = jnp.zeros((8, C), jnp.float32)

        upd = jnp.concatenate(
            [jnp.sum(s, axis=0, keepdims=True),
             jnp.sum(s * s, axis=0, keepdims=True),
             jnp.zeros((6, C), jnp.float32)], axis=0)
        st_o[...] += upd

    return pl.pallas_call(
        body,
        grid=(SGRID,),
        in_specs=[
            pl.BlockSpec((K, B, C), lambda i: (0, i, 0)),
            pl.BlockSpec((K, B, 16), lambda i: (0, i, 0)),
            pl.BlockSpec((B, C), lambda i: (s0 * SGRID + i, 0)),
            pl.BlockSpec((B, C), lambda i: (s0 * SGRID + i, 0)),
            _full((16, 16)), _full((1, 16)),
            _full((16, C)),
            _full((16, C)),
            _full((C, C)),
            _full((C, C)), _full((1, C)),
            _full((C, C)), _full((1, C)),
            _full((C, C)), _full((1, C)),
        ],
        out_specs=[
            pl.BlockSpec((B, C), lambda i: (i, 0)),
            _full((8, C)),
        ],
        out_shape=[
            jax.ShapeDtypeStruct((SN, C), jnp.float32),
            jax.ShapeDtypeStruct((8, C), jnp.float32),
        ],
        compiler_params=pltpu.CompilerParams(
            dimension_semantics=("arbitrary",)),
    )(kvn, rel16, qA, xn, Wp1p, bp1p, Wp2p, Wp2Ap, Wa2,
      Wl2, bl2, Ws1, bs1, Ws2, bs2)


def _tc4(s, st2, g2, be2):
    B4 = 1000

    def body(s_r, st_r, g_r, be_r, o_r):
        st = st_r[...]
        m = st[0:1] * (1.0 / N)
        var = st[1:2] * (1.0 / N) - m * m
        sc = g_r[...] * lax.rsqrt(var + 1e-5)
        sh = be_r[...] - m * sc
        o_r[...] = jax.nn.gelu(s_r[...] * sc + sh)

    return pl.pallas_call(
        body,
        grid=(N // B4,),
        in_specs=[
            pl.BlockSpec((B4, C), lambda i: (i, 0)),
            _full((8, C)), _full((1, C)), _full((1, C)),
        ],
        out_specs=pl.BlockSpec((B4, C), lambda i: (i, 0)),
        out_shape=jax.ShapeDtypeStruct((N, C), jnp.float32),
    )(s, st2, g2, be2)


def kernel(coord, feat, offset, neighbor_idx, params):
    p = params
    dirs16 = jnp.zeros((16, NG), jnp.float32).at[:3].set(p['gib_dirs'].T)
    sig = jax.nn.softplus(p['gib_sigma']) + 1e-4
    sig2inv = (1.0 / (2.0 * sig * sig))[None, :]
    cvx_smT = jax.nn.softmax(p['cvx'], axis=1).T
    coord16 = jnp.zeros((N, 16), jnp.float32).at[:, :3].set(coord)
    WqA = p['Wq'] @ p['Wa1']
    WkA = p['Wk'] @ p['Wa1']
    Wp1p = jnp.zeros((16, 16), jnp.float32).at[:3, :3].set(p['Wp1']).astype(jnp.bfloat16)
    bp1p = jnp.zeros((1, 16), jnp.float32).at[0, :3].set(p['bp1'])
    Wp2p = jnp.zeros((16, C), jnp.float32).at[:3].set(p['Wp2'])
    Wp2Ap = (Wp2p @ p['Wa1']).astype(jnp.bfloat16)
    bp2A = (p['bp2'] @ p['Wa1'])[None, :]
    Wp2p = Wp2p.astype(jnp.bfloat16)

    nbr_flat = neighbor_idx.T.reshape(-1)

    rel16_s, x_s, st1_s = [], [], []
    for s in range(S):
        cn = _sc_gather(coord16, lax.slice(nbr_flat, (s * SE,), ((s + 1) * SE,)),
                        16).reshape(K, SN, 16)
        rel16, x, st1 = _tc1(
            s, coord16, cn, feat, dirs16, sig2inv, cvx_smT,
            p['W_enc'], p['b_enc'][None, :], p['W1'], p['b1'][None, :],
            p['W2'], p['b2'][None, :])
        rel16_s.append(rel16)
        x_s.append(x)
        st1_s.append(st1)
    st1 = functools.reduce(lambda a, b: a + b, st1_s)
    x = jnp.concatenate(x_s, axis=0)

    xn, qA, kv = _tc2(
        x, st1, p['g1'][None, :], p['be1'][None, :],
        p['Wl1'], p['bl1'][None, :], WqA, WkA,
        p['ba1'][None, :], p['Wv'], bp2A, p['bp2'][None, :])

    s_s, st2_s = [], []
    for s in range(S):
        kvn = _sc_gather(kv, lax.slice(nbr_flat, (s * SE,), ((s + 1) * SE,)),
                         C, jnp.int32).reshape(K, SN, C)
        ss, st2 = _tc3(
            s, kvn, rel16_s[s], qA, xn, Wp1p, bp1p, Wp2p,
            Wp2Ap, p['Wa2'].astype(jnp.bfloat16),
            p['Wl2'],
            p['bl2'][None, :], p['Ws1'], p['bs1'][None, :], p['Ws2'],
            p['bs2'][None, :])
        s_s.append(ss)
        st2_s.append(st2)
    st2 = functools.reduce(lambda a, b: a + b, st2_s)
    s = jnp.concatenate(s_s, axis=0)

    out = _tc4(s, st2, p['g2'][None, :], p['be2'][None, :])
    return (coord, out, offset)

# --- scband reference (transcript-rebuilt; emitter-appended) ---
"""Pipeline reference for scband-gibli-block-ptv1-6330781794452 (READ-ONLY COPY).

The authoritative reference and input builder live on the scoring server;
editing this copy changes nothing except your own understanding.
"""

import jax, jax.numpy as jnp
import numpy as np

N = 10000
K = 16
C = 128
FE = 16
NG = 32
NO = 64
KR = 0.2

def _lin(key, i, o):
    return jax.random.normal(key, (i, o), jnp.float32) * (1.0 / np.sqrt(i))

def setup_inputs(seed: int = 0):
    key = jax.random.key(seed)
    ks = jax.random.split(key, 24)
    coord = jax.random.uniform(ks[0], (N, 3), jnp.float32) * 2.0
    feat = jax.random.normal(ks[1], (N, C), jnp.float32)
    offset = jnp.array([2500, 5000, 7500, 10000], dtype=jnp.int32)
    neighbor_idx = jax.random.randint(ks[2], (N, K), 0, N, dtype=jnp.int32)
    params = {
        'gib_dirs': jax.random.normal(ks[3], (NG, 3), jnp.float32),
        'gib_sigma': jnp.full((NG,), 0.5, jnp.float32),
        'cvx': jax.random.normal(ks[4], (NO, NG), jnp.float32) * 0.1,
        'W_enc': _lin(ks[5], C, FE), 'b_enc': jnp.zeros((FE,), jnp.float32),
        'W1': _lin(ks[6], FE + NO, FE + NO), 'b1': jnp.zeros((FE + NO,), jnp.float32),
        'W2': _lin(ks[7], FE + NO, C), 'b2': jnp.zeros((C,), jnp.float32),
        'g1': jnp.ones((C,), jnp.float32), 'be1': jnp.zeros((C,), jnp.float32),
        'Wl1': _lin(ks[8], C, C), 'bl1': jnp.zeros((C,), jnp.float32),
        'Wq': _lin(ks[9], C, C), 'Wk': _lin(ks[10], C, C), 'Wv': _lin(ks[11], C, C),
        'Wp1': _lin(ks[12], 3, 3), 'bp1': jnp.zeros((3,), jnp.float32),
        'Wp2': _lin(ks[13], 3, C), 'bp2': jnp.zeros((C,), jnp.float32),
        'Wa1': _lin(ks[14], C, C), 'ba1': jnp.zeros((C,), jnp.float32),
        'Wa2': _lin(ks[15], C, C), 'ba2': jnp.zeros((C,), jnp.float32),
        'Wl2': _lin(ks[16], C, C), 'bl2': jnp.zeros((C,), jnp.float32),
        'Ws1': _lin(ks[17], C, C), 'bs1': jnp.zeros((C,), jnp.float32),
        'Ws2': _lin(ks[18], C, C), 'bs2': jnp.zeros((C,), jnp.float32),
        'g2': jnp.ones((C,), jnp.float32), 'be2': jnp.zeros((C,), jnp.float32),
    }
    return {'coord': coord, 'feat': feat, 'offset': offset, 'neighbor_idx': neighbor_idx, 'params': params}

def _bn(x, g, b):
    m = jnp.mean(x, axis=0)
    v = jnp.var(x, axis=0)
    return (x - m) / jnp.sqrt(v + 1e-5) * g + b

def _forward(coord, feat, params, nbr):
    p = params
    # GIBLi layer: gather kNN neighbors, geometric inductive bias responses
    rel = coord[nbr] - coord[:, None, :]
    d2 = jnp.sum(rel * rel, axis=-1)
    proj = jnp.einsum('nkc,gc->nkg', rel, p['gib_dirs'])
    sig = jax.nn.softplus(p['gib_sigma']) + 1e-4
    resp = jnp.exp(-(proj ** 2) / (2.0 * sig ** 2)) * jnp.exp(-d2 / (2.0 * KR ** 2))[..., None]
    gib = jnp.mean(resp, axis=1)
    cvx = jax.nn.softmax(p['cvx'], axis=1)
    obs = gib @ cvx.T
    fenc = feat @ p['W_enc'] + p['b_enc']
    g = jnp.concatenate([fenc, obs], axis=-1)
    # gibli_proj MLP (dropout in eval = identity), residual, norm1 + GELU
    g = jax.nn.gelu(g @ p['W1'] + p['b1']) @ p['W2'] + p['b2']
    x = feat + g
    x = jax.nn.gelu(_bn(x, p['g1'], p['be1']))
    # Point Transformer bottleneck (share_planes=1, nsample=K)
    y = x @ p['Wl1'] + p['bl1']
    q = y @ p['Wq']
    k = y @ p['Wk']
    v = y @ p['Wv']
    kn = k[nbr]
    vn = v[nbr]
    pos = jax.nn.relu(rel @ p['Wp1'] + p['bp1']) @ p['Wp2'] + p['bp2']
    w = kn - q[:, None, :] + pos
    w = jax.nn.relu(w @ p['Wa1'] + p['ba1']) @ p['Wa2'] + p['ba2']
    w = jax.nn.softmax(w, axis=1)
    agg = jnp.sum(w * (vn + pos), axis=1)
    x2 = jax.nn.relu(x + (agg @ p['Wl2'] + p['bl2']))
    # sota_proj MLP + norm2 + GELU
    s = jax.nn.gelu(x2 @ p['Ws1'] + p['bs1']) @ p['Ws2'] + p['bs2']
    out = jax.nn.gelu(_bn(s, p['g2'], p['be2']))
    return out

def reference(coord, feat, offset, neighbor_idx, params):
    out = _forward(coord, feat, params, neighbor_idx)
    return (coord, out, offset)

if __name__ == "__main__":
    import jax
    _d = setup_inputs()
    print(jax.jit(kernel)(*tuple(_d.values())))

</pallas_src>

<mosaic_0001>
#map = affine_map<(d0, d1) -> (0, 0)>
#map1 = affine_map<(d0, d1) -> (0)>
module attributes {stable_mosaic.version = 14 : i64} {
  func.func @gather_kernel(%arg0: i32, %arg1: i32, %arg2: memref<10000x128xi32, #tpu.memory_space<hbm>>, %arg3: memref<160000xi32, #tpu.memory_space<hbm>>, %arg4: memref<160000x128xi32, #tpu.memory_space<hbm>>, %arg5: memref<5120xi32, #tpu.memory_space<vmem>>, %arg6: memref<128x128xi32, #tpu.memory_space<vmem>>, %arg7: memref<128x128xi32, #tpu.memory_space<vmem>>, %arg8: memref<!tpu.dma_semaphore, #tpu.memory_space<semaphore_mem>>, %arg9: memref<!tpu.dma_semaphore, #tpu.memory_space<semaphore_mem>>) attributes {dimension_semantics = [#tpu.dimension_semantics<core_parallel>, #tpu.dimension_semantics<subcore_parallel>], iteration_bounds = array<i64: 2, 16>, scalar_prefetch = 0 : i64, scratch_operands = 5 : i64, tpu.core_type = #tpu.core_type<sc_vector_subcore>, window_params = [{transform_indices = #map}, {transform_indices = #map1}, {transform_indices = #map}]} {
    %mul3A = arith.constant 2 : i32
    %mul3A_0 = arith.muli %arg1, %mul3A : i32
    %add3A = arith.addi %mul3A_0, %arg0 : i32
    %mul3A_1 = arith.constant 39 : i32
    %mul3A_2 = arith.muli %add3A, %mul3A_1 : i32
    %min3A = arith.constant 2 : i32
    %min3A_3 = arith.minsi %add3A, %min3A : i32
    %add3A_4 = arith.addi %mul3A_2, %min3A_3 : i32
    %mul3A_5 = arith.constant 128 : i32
    %mul3A_6 = arith.muli %add3A_4, %mul3A_5 : i32
    "tpu.region"() ({
      %run_scoped3A = tpu.sem_alloc : memref<!tpu.dma_semaphore, #tpu.memory_space<semaphore_mem>>
      %dma_start3A_30 = arith.constant 0 : i32
      %dma_start3A_31 = tpu.memref_slice %arg5[%dma_start3A_30] : memref<5120xi32, #tpu.memory_space<vmem>> -> memref<4992xi32, #tpu.memory_space<vmem>>
      %dma_start3A_32 = tpu.memref_slice %arg3[%mul3A_6] : memref<160000xi32, #tpu.memory_space<hbm>> -> memref<4992xi32, #tpu.memory_space<hbm>>
      %dma_start3A_33 = arith.constant 0 : i32
      %dma_start3A_34 = tpu.memref_slice %arg5[%dma_start3A_33] : memref<5120xi32, #tpu.memory_space<vmem>> -> memref<4992xi32, #tpu.memory_space<vmem>>
      %dma_start3A_35 = tpu.memref_slice %arg3[%mul3A_6] : memref<160000xi32, #tpu.memory_space<hbm>> -> memref<4992xi32, #tpu.memory_space<hbm>>
      tpu.enqueue_dma source(%dma_start3A_35 : memref<4992xi32, #tpu.memory_space<hbm>>) target(%dma_start3A_34 : memref<4992xi32, #tpu.memory_space<vmem>>) target_semaphore(%run_scoped3A : memref<!tpu.dma_semaphore, #tpu.memory_space<semaphore_mem>>)
      %dma_wait3A = arith.constant 0 : i32
      %dma_wait3A_36 = tpu.memref_slice %arg5[%dma_wait3A] : memref<5120xi32, #tpu.memory_space<vmem>> -> memref<4992xi32, #tpu.memory_space<vmem>>
      %dma_wait3A_37 = tpu.memref_slice %arg3[%mul3A_6] : memref<160000xi32, #tpu.memory_space<hbm>> -> memref<4992xi32, #tpu.memory_space<hbm>>
      %dma_wait3A_38 = arith.constant 0 : i32
      %dma_wait3A_39 = tpu.memref_slice %arg5[%dma_wait3A_38] : memref<5120xi32, #tpu.memory_space<vmem>> -> memref<4992xi32, #tpu.memory_space<vmem>>
      %dma_wait3A_40 = tpu.memref_slice %arg3[%mul3A_6] : memref<160000xi32, #tpu.memory_space<hbm>> -> memref<4992xi32, #tpu.memory_space<hbm>>
      tpu.wait_dma2 semaphore(%run_scoped3A : memref<!tpu.dma_semaphore, #tpu.memory_space<semaphore_mem>>) src(%dma_wait3A_40 : memref<4992xi32, #tpu.memory_space<hbm>>) dst(%dma_wait3A_39 : memref<4992xi32, #tpu.memory_space<vmem>>)
      tpu.yield
    }) : () -> ()
    %lt3A = arith.constant 2 : i32
    %lt3A_7 = arith.cmpi slt, %add3A, %lt3A : i32
    %convert_element_type3A = arith.extui %lt3A_7 : i1 to i32
    %cond3A = arith.constant 0 : i32
    %cond3A_8 = arith.cmpi ne, %convert_element_type3A, %cond3A : i32
    scf.if %cond3A_8 {
      %add3A_30 = arith.constant 4992 : i32
      %add3A_31 = arith.addi %mul3A_6, %add3A_30 : i32
      "tpu.region"() ({
        %run_scoped3A = tpu.sem_alloc : memref<!tpu.dma_semaphore, #tpu.memory_space<semaphore_mem>>
        %dma_start3A_32 = arith.constant 4992 : i32
        %dma_start3A_33 = tpu.memref_slice %arg5[%dma_start3A_32] : memref<5120xi32, #tpu.memory_space<vmem>> -> memref<128xi32, #tpu.memory_space<vmem>>
        %dma_start3A_34 = tpu.memref_slice %arg3[%add3A_31] : memref<160000xi32, #tpu.memory_space<hbm>> -> memref<128xi32, #tpu.memory_space<hbm>>
        %dma_start3A_35 = arith.constant 4992 : i32
        %dma_start3A_36 = tpu.memref_slice %arg5[%dma_start3A_35] : memref<5120xi32, #tpu.memory_space<vmem>> -> memref<128xi32, #tpu.memory_space<vmem>>
        %dma_start3A_37 = tpu.memref_slice %arg3[%add3A_31] : memref<160000xi32, #tpu.memory_space<hbm>> -> memref<128xi32, #tpu.memory_space<hbm>>
        tpu.enqueue_dma source(%dma_start3A_37 : memref<128xi32, #tpu.memory_space<hbm>>) target(%dma_start3A_36 : memref<128xi32, #tpu.memory_space<vmem>>) target_semaphore(%run_scoped3A : memref<!tpu.dma_semaphore, #tpu.memory_space<semaphore_mem>>)
        %dma_wait3A = arith.constant 4992 : i32
        %dma_wait3A_38 = tpu.memref_slice %arg5[%dma_wait3A] : memref<5120xi32, #tpu.memory_space<vmem>> -> memref<128xi32, #tpu.memory_space<vmem>>
        %dma_wait3A_39 = tpu.memref_slice %arg3[%add3A_31] : memref<160000xi32, #tpu.memory_space<hbm>> -> memref<128xi32, #tpu.memory_space<hbm>>
        %dma_wait3A_40 = arith.constant 4992 : i32
        %dma_wait3A_41 = tpu.memref_slice %arg5[%dma_wait3A_40] : memref<5120xi32, #tpu.memory_space<vmem>> -> memref<128xi32, #tpu.memory_space<vmem>>
        %dma_wait3A_42 = tpu.memref_slice %arg3[%add3A_31] : memref<160000xi32, #tpu.memory_space<hbm>> -> memref<128xi32, #tpu.memory_space<hbm>>
        tpu.wait_dma2 semaphore(%run_scoped3A : memref<!tpu.dma_semaphore, #tpu.memory_space<semaphore_mem>>) src(%dma_wait3A_42 : memref<128xi32, #tpu.memory_space<hbm>>) dst(%dma_wait3A_41 : memref<128xi32, #tpu.memory_space<vmem>>)
        tpu.yield
      }) : () -> ()
    } else {
    }
    %dma_start3A = arith.constant 0 : i32
    %dma_start3A_9 = tpu.memref_slice %arg5[%dma_start3A] : memref<5120xi32, #tpu.memory_space<vmem>> -> memref<128xi32, #tpu.memory_space<vmem>>
    %dma_start3A_10 = arith.constant 0 : i32
    %dma_start3A_11 = arith.constant 0 : i32
    %dma_start3A_12 = tpu.memref_slice %arg2[%dma_start3A_10, %dma_start3A_11] : memref<10000x128xi32, #tpu.memory_space<hbm>> -> memref<10000x128xi32, #tpu.memory_space<hbm>>
    tpu.enqueue_indirect_dma source(%dma_start3A_12 : memref<10000x128xi32, #tpu.memory_space<hbm>>) target(%arg6 : memref<128x128xi32, #tpu.memory_space<vmem>>) offsets(%dma_start3A_9 : memref<128xi32, #tpu.memory_space<vmem>>) semaphore(%arg8 : memref<!tpu.dma_semaphore, #tpu.memory_space<semaphore_mem>>)
    %scan3A = arith.constant 0 : i32
    %scan3A_13 = arith.constant 0 : i32
    %scan3A_14 = arith.constant 19 : i32
    %scan3A_15 = arith.addi %scan3A_13, %scan3A_14 : i32
    %scan3A_16 = arith.constant 1 : i32
    scf.for %scan3A_30 = %scan3A_13 to %scan3A_15 step %scan3A_16  : i32 {
      %mul3A_31 = arith.constant 2 : i32
      %mul3A_32 = arith.muli %mul3A_31, %scan3A_30 : i32
      %add3A_33 = arith.constant 1 : i32
      %add3A_34 = arith.addi %mul3A_32, %add3A_33 : i32
      %mul3A_35 = arith.constant 2 : i32
      %mul3A_36 = arith.muli %mul3A_35, %scan3A_30 : i32
      %add3A_37 = arith.constant 2 : i32
      %add3A_38 = arith.addi %mul3A_36, %add3A_37 : i32
      %mul3A_39 = arith.constant 128 : i32
      %mul3A_40 = arith.muli %add3A_34, %mul3A_39 : i32
      %dma_start3A_41 = tpu.memref_slice %arg5[%mul3A_40] : memref<5120xi32, #tpu.memory_space<vmem>> -> memref<128xi32, #tpu.memory_space<vmem>>
      %dma_start3A_42 = arith.constant 0 : i32
      %dma_start3A_43 = arith.constant 0 : i32
      %dma_start3A_44 = tpu.memref_slice %arg2[%dma_start3A_42, %dma_start3A_43] : memref<10000x128xi32, #tpu.memory_space<hbm>> -> memref<10000x128xi32, #tpu.memory_space<hbm>>
      tpu.enqueue_indirect_dma source(%dma_start3A_44 : memref<10000x128xi32, #tpu.memory_space<hbm>>) target(%arg7 : memref<128x128xi32, #tpu.memory_space<vmem>>) offsets(%dma_start3A_41 : memref<128xi32, #tpu.memory_space<vmem>>) semaphore(%arg9 : memref<!tpu.dma_semaphore, #tpu.memory_space<semaphore_mem>>)
      tpu.wait_dma2 semaphore(%arg8 : memref<!tpu.dma_semaphore, #tpu.memory_space<semaphore_mem>>) src(%arg2 : memref<10000x128xi32, #tpu.memory_space<hbm>>) dst(%arg6 : memref<128x128xi32, #tpu.memory_space<vmem>>)
      %sub3A = arith.constant 1 : i32
      %sub3A_45 = arith.subi %add3A_34, %sub3A : i32
      %mul3A_46 = arith.constant 128 : i32
      %mul3A_47 = arith.muli %sub3A_45, %mul3A_46 : i32
      %add3A_48 = arith.addi %mul3A_6, %mul3A_47 : i32
      "tpu.region"() ({
        %run_scoped3A = tpu.sem_alloc : memref<!tpu.dma_semaphore, #tpu.memory_space<semaphore_mem>>
        %dma_start3A_58 = arith.constant 0 : i32
        %dma_start3A_59 = tpu.memref_slice %arg4[%add3A_48, %dma_start3A_58] : memref<160000x128xi32, #tpu.memory_space<hbm>> -> memref<128x128xi32, #tpu.memory_space<hbm>>
        %dma_start3A_60 = arith.constant 0 : i32
        %dma_start3A_61 = tpu.memref_slice %arg4[%add3A_48, %dma_start3A_60] : memref<160000x128xi32, #tpu.memory_space<hbm>> -> memref<128x128xi32, #tpu.memory_space<hbm>>
        tpu.enqueue_dma source(%arg6 : memref<128x128xi32, #tpu.memory_space<vmem>>) target(%dma_start3A_61 : memref<128x128xi32, #tpu.memory_space<hbm>>) target_semaphore(%run_scoped3A : memref<!tpu.dma_semaphore, #tpu.memory_space<semaphore_mem>>)
        %dma_wait3A = arith.constant 0 : i32
        %dma_wait3A_62 = tpu.memref_slice %arg4[%add3A_48, %dma_wait3A] : memref<160000x128xi32, #tpu.memory_space<hbm>> -> memref<128x128xi32, #tpu.memory_space<hbm>>
        %dma_wait3A_63 = arith.constant 0 : i32
        %dma_wait3A_64 = tpu.memref_slice %arg4[%add3A_48, %dma_wait3A_63] : memref<160000x128xi32, #tpu.memory_space<hbm>> -> memref<128x128xi32, #tpu.memory_space<hbm>>
        tpu.wait_dma2 semaphore(%run_scoped3A : memref<!tpu.dma_semaphore, #tpu.memory_space<semaphore_mem>>) src(%arg6 : memref<128x128xi32, #tpu.memory_space<vmem>>) dst(%dma_wait3A_64 : memref<128x128xi32, #tpu.memory_space<hbm>>)
        tpu.yield
      }) : () -> ()
      %mul3A_49 = arith.constant 128 : i32
      %mul3A_50 = arith.muli %add3A_38, %mul3A_49 : i32
      %dma_start3A_51 = tpu.memref_slice %arg5[%mul3A_50] : memref<5120xi32, #tpu.memory_space<vmem>> -> memref<128xi32, #tpu.memory_space<vmem>>
      %dma_start3A_52 = arith.constant 0 : i32
      %dma_start3A_53 = arith.constant 0 : i32
      %dma_start3A_54 = tpu.memref_slice %arg2[%dma_start3A_52, %dma_start3A_53] : memref<10000x128xi32, #tpu.memory_space<hbm>> -> memref<10000x128xi32, #tpu.memory_space<hbm>>
      tpu.enqueue_indirect_dma source(%dma_start3A_54 : memref<10000x128xi32, #tpu.memory_space<hbm>>) target(%arg6 : memref<128x128xi32, #tpu.memory_space<vmem>>) offsets(%dma_start3A_51 : memref<128xi32, #tpu.memory_space<vmem>>) semaphore(%arg8 : memref<!tpu.dma_semaphore, #tpu.memory_space<semaphore_mem>>)
      tpu.wait_dma2 semaphore(%arg9 : memref<!tpu.dma_semaphore, #tpu.memory_space<semaphore_mem>>) src(%arg2 : memref<10000x128xi32, #tpu.memory_space<hbm>>) dst(%arg7 : memref<128x128xi32, #tpu.memory_space<vmem>>)
      %mul3A_55 = arith.constant 128 : i32
      %mul3A_56 = arith.muli %add3A_34, %mul3A_55 : i32
      %add3A_57 = arith.addi %mul3A_6, %mul3A_56 : i32
      "tpu.region"() ({
        %run_scoped3A = tpu.sem_alloc : memref<!tpu.dma_semaphore, #tpu.memory_space<semaphore_mem>>
        %dma_start3A_58 = arith.constant 0 : i32
        %dma_start3A_59 = tpu.memref_slice %arg4[%add3A_57, %dma_start3A_58] : memref<160000x128xi32, #tpu.memory_space<hbm>> -> memref<128x128xi32, #tpu.memory_space<hbm>>
        %dma_start3A_60 = arith.constant 0 : i32
        %dma_start3A_61 = tpu.memref_slice %arg4[%add3A_57, %dma_start3A_60] : memref<160000x128xi32, #tpu.memory_space<hbm>> -> memref<128x128xi32, #tpu.memory_space<hbm>>
        tpu.enqueue_dma source(%arg7 : memref<128x128xi32, #tpu.memory_space<vmem>>) target(%dma_start3A_61 : memref<128x128xi32, #tpu.memory_space<hbm>>) target_semaphore(%run_scoped3A : memref<!tpu.dma_semaphore, #tpu.memory_space<semaphore_mem>>)
        %dma_wait3A = arith.constant 0 : i32
        %dma_wait3A_62 = tpu.memref_slice %arg4[%add3A_57, %dma_wait3A] : memref<160000x128xi32, #tpu.memory_space<hbm>> -> memref<128x128xi32, #tpu.memory_space<hbm>>
        %dma_wait3A_63 = arith.constant 0 : i32
        %dma_wait3A_64 = tpu.memref_slice %arg4[%add3A_57, %dma_wait3A_63] : memref<160000x128xi32, #tpu.memory_space<hbm>> -> memref<128x128xi32, #tpu.memory_space<hbm>>
        tpu.wait_dma2 semaphore(%run_scoped3A : memref<!tpu.dma_semaphore, #tpu.memory_space<semaphore_mem>>) src(%arg7 : memref<128x128xi32, #tpu.memory_space<vmem>>) dst(%dma_wait3A_64 : memref<128x128xi32, #tpu.memory_space<hbm>>)
        tpu.yield
      }) : () -> ()
    }
    %scan3A_17 = arith.constant 19 : i32
    %lt3A_18 = arith.constant 2 : i32
    %lt3A_19 = arith.cmpi slt, %add3A, %lt3A_18 : i32
    %convert_element_type3A_20 = arith.extui %lt3A_19 : i1 to i32
    %cond3A_21 = arith.constant 0 : i32
    %cond3A_22 = arith.cmpi ne, %convert_element_type3A_20, %cond3A_21 : i32
    scf.if %cond3A_22 {
      %dma_start3A_30 = arith.constant 4992 : i32
      %dma_start3A_31 = tpu.memref_slice %arg5[%dma_start3A_30] : memref<5120xi32, #tpu.memory_space<vmem>> -> memref<128xi32, #tpu.memory_space<vmem>>
      %dma_start3A_32 = arith.constant 0 : i32
      %dma_start3A_33 = arith.constant 0 : i32
      %dma_start3A_34 = tpu.memref_slice %arg2[%dma_start3A_32, %dma_start3A_33] : memref<10000x128xi32, #tpu.memory_space<hbm>> -> memref<10000x128xi32, #tpu.memory_space<hbm>>
      tpu.enqueue_indirect_dma source(%dma_start3A_34 : memref<10000x128xi32, #tpu.memory_space<hbm>>) target(%arg7 : memref<128x128xi32, #tpu.memory_space<vmem>>) offsets(%dma_start3A_31 : memref<128xi32, #tpu.memory_space<vmem>>) semaphore(%arg9 : memref<!tpu.dma_semaphore, #tpu.memory_space<semaphore_mem>>)
    } else {
    }
    tpu.wait_dma2 semaphore(%arg8 : memref<!tpu.dma_semaphore, #tpu.memory_space<semaphore_mem>>) src(%arg2 : memref<10000x128xi32, #tpu.memory_space<hbm>>) dst(%arg6 : memref<128x128xi32, #tpu.memory_space<vmem>>)
    %add3A_23 = arith.constant 4864 : i32
    %add3A_24 = arith.addi %mul3A_6, %add3A_23 : i32
    "tpu.region"() ({
      %run_scoped3A = tpu.sem_alloc : memref<!tpu.dma_semaphore, #tpu.memory_space<semaphore_mem>>
      %dma_start3A_30 = arith.constant 0 : i32
      %dma_start3A_31 = tpu.memref_slice %arg4[%add3A_24, %dma_start3A_30] : memref<160000x128xi32, #tpu.memory_space<hbm>> -> memref<128x128xi32, #tpu.memory_space<hbm>>
      %dma_start3A_32 = arith.constant 0 : i32
      %dma_start3A_33 = tpu.memref_slice %arg4[%add3A_24, %dma_start3A_32] : memref<160000x128xi32, #tpu.memory_space<hbm>> -> memref<128x128xi32, #tpu.memory_space<hbm>>
      tpu.enqueue_dma source(%arg6 : memref<128x128xi32, #tpu.memory_space<vmem>>) target(%dma_start3A_33 : memref<128x128xi32, #tpu.memory_space<hbm>>) target_semaphore(%run_scoped3A : memref<!tpu.dma_semaphore, #tpu.memory_space<semaphore_mem>>)
      %dma_wait3A = arith.constant 0 : i32
      %dma_wait3A_34 = tpu.memref_slice %arg4[%add3A_24, %dma_wait3A] : memref<160000x128xi32, #tpu.memory_space<hbm>> -> memref<128x128xi32, #tpu.memory_space<hbm>>
      %dma_wait3A_35 = arith.constant 0 : i32
      %dma_wait3A_36 = tpu.memref_slice %arg4[%add3A_24, %dma_wait3A_35] : memref<160000x128xi32, #tpu.memory_space<hbm>> -> memref<128x128xi32, #tpu.memory_space<hbm>>
      tpu.wait_dma2 semaphore(%run_scoped3A : memref<!tpu.dma_semaphore, #tpu.memory_space<semaphore_mem>>) src(%arg6 : memref<128x128xi32, #tpu.memory_space<vmem>>) dst(%dma_wait3A_36 : memref<128x128xi32, #tpu.memory_space<hbm>>)
      tpu.yield
    }) : () -> ()
    %lt3A_25 = arith.constant 2 : i32
    %lt3A_26 = arith.cmpi slt, %add3A, %lt3A_25 : i32
    %convert_element_type3A_27 = arith.extui %lt3A_26 : i1 to i32
    %cond3A_28 = arith.constant 0 : i32
    %cond3A_29 = arith.cmpi ne, %convert_element_type3A_27, %cond3A_28 : i32
    scf.if %cond3A_29 {
      tpu.wait_dma2 semaphore(%arg9 : memref<!tpu.dma_semaphore, #tpu.memory_space<semaphore_mem>>) src(%arg2 : memref<10000x128xi32, #tpu.memory_space<hbm>>) dst(%arg7 : memref<128x128xi32, #tpu.memory_space<vmem>>)
      %add3A_30 = arith.constant 4992 : i32
      %add3A_31 = arith.addi %mul3A_6, %add3A_30 : i32
      "tpu.region"() ({
        %run_scoped3A = tpu.sem_alloc : memref<!tpu.dma_semaphore, #tpu.memory_space<semaphore_mem>>
        %dma_start3A_32 = arith.constant 0 : i32
        %dma_start3A_33 = tpu.memref_slice %arg4[%add3A_31, %dma_start3A_32] : memref<160000x128xi32, #tpu.memory_space<hbm>> -> memref<128x128xi32, #tpu.memory_space<hbm>>
        %dma_start3A_34 = arith.constant 0 : i32
        %dma_start3A_35 = tpu.memref_slice %arg4[%add3A_31, %dma_start3A_34] : memref<160000x128xi32, #tpu.memory_space<hbm>> -> memref<128x128xi32, #tpu.memory_space<hbm>>
        tpu.enqueue_dma source(%arg7 : memref<128x128xi32, #tpu.memory_space<vmem>>) target(%dma_start3A_35 : memref<128x128xi32, #tpu.memory_space<hbm>>) target_semaphore(%run_scoped3A : memref<!tpu.dma_semaphore, #tpu.memory_space<semaphore_mem>>)
        %dma_wait3A = arith.constant 0 : i32
        %dma_wait3A_36 = tpu.memref_slice %arg4[%add3A_31, %dma_wait3A] : memref<160000x128xi32, #tpu.memory_space<hbm>> -> memref<128x128xi32, #tpu.memory_space<hbm>>
        %dma_wait3A_37 = arith.constant 0 : i32
        %dma_wait3A_38 = tpu.memref_slice %arg4[%add3A_31, %dma_wait3A_37] : memref<160000x128xi32, #tpu.memory_space<hbm>> -> memref<128x128xi32, #tpu.memory_space<hbm>>
        tpu.wait_dma2 semaphore(%run_scoped3A : memref<!tpu.dma_semaphore, #tpu.memory_space<semaphore_mem>>) src(%arg7 : memref<128x128xi32, #tpu.memory_space<vmem>>) dst(%dma_wait3A_38 : memref<128x128xi32, #tpu.memory_space<hbm>>)
        tpu.yield
      }) : () -> ()
    } else {
    }
    return
  }
}

#map = affine_map<(d0, d1) -> (0, 0)>
#map1 = affine_map<(d0, d1) -> (0)>
module attributes {stable_mosaic.version = 14 : i64} {
  func.func @gather_kernel(%arg0: i32, %arg1: i32, %arg2: memref<10000x16xf32, #tpu.memory_space<hbm>>, %arg3: memref<160000xi32, #tpu.memory_space<hbm>>, %arg4: memref<160000x16xf32, #tpu.memory_space<hbm>>, %arg5: memref<5120xi32, #tpu.memory_space<vmem>>, %arg6: memref<128x16xf32, #tpu.memory_space<vmem>>, %arg7: memref<128x16xf32, #tpu.memory_space<vmem>>, %arg8: memref<!tpu.dma_semaphore, #tpu.memory_space<semaphore_mem>>, %arg9: memref<!tpu.dma_semaphore, #tpu.memory_space<semaphore_mem>>) attributes {dimension_semantics = [#tpu.dimension_semantics<core_parallel>, #tpu.dimension_semantics<subcore_parallel>], iteration_bounds = array<i64: 2, 16>, scalar_prefetch = 0 : i64, scratch_operands = 5 : i64, tpu.core_type = #tpu.core_type<sc_vector_subcore>, window_params = [{transform_indices = #map}, {transform_indices = #map1}, {transform_indices = #map}]} {
    %mul3A = arith.constant 2 : i32
    %mul3A_0 = arith.muli %arg1, %mul3A : i32
    %add3A = arith.addi %mul3A_0, %arg0 : i32
    %mul3A_1 = arith.constant 39 : i32
    %mul3A_2 = arith.muli %add3A, %mul3A_1 : i32
    %min3A = arith.constant 2 : i32
    %min3A_3 = arith.minsi %add3A, %min3A : i32
    %add3A_4 = arith.addi %mul3A_2, %min3A_3 : i32
    %mul3A_5 = arith.constant 128 : i32
    %mul3A_6 = arith.muli %add3A_4, %mul3A_5 : i32
    "tpu.region"() ({
      %run_scoped3A = tpu.sem_alloc : memref<!tpu.dma_semaphore, #tpu.memory_space<semaphore_mem>>
      %dma_start3A_30 = arith.constant 0 : i32
      %dma_start3A_31 = tpu.memref_slice %arg5[%dma_start3A_30] : memref<5120xi32, #tpu.memory_space<vmem>> -> memref<4992xi32, #tpu.memory_space<vmem>>
      %dma_start3A_32 = tpu.memref_slice %arg3[%mul3A_6] : memref<160000xi32, #tpu.memory_space<hbm>> -> memref<4992xi32, #tpu.memory_space<hbm>>
      %dma_start3A_33 = arith.constant 0 : i32
      %dma_start3A_34 = tpu.memref_slice %arg5[%dma_start3A_33] : memref<5120xi32, #tpu.memory_space<vmem>> -> memref<4992xi32, #tpu.memory_space<vmem>>
      %dma_start3A_35 = tpu.memref_slice %arg3[%mul3A_6] : memref<160000xi32, #tpu.memory_space<hbm>> -> memref<4992xi32, #tpu.memory_space<hbm>>
      tpu.enqueue_dma source(%dma_start3A_35 : memref<4992xi32, #tpu.memory_space<hbm>>) target(%dma_start3A_34 : memref<4992xi32, #tpu.memory_space<vmem>>) target_semaphore(%run_scoped3A : memref<!tpu.dma_semaphore, #tpu.memory_space<semaphore_mem>>)
      %dma_wait3A = arith.constant 0 : i32
      %dma_wait3A_36 = tpu.memref_slice %arg5[%dma_wait3A] : memref<5120xi32, #tpu.memory_space<vmem>> -> memref<4992xi32, #tpu.memory_space<vmem>>
      %dma_wait3A_37 = tpu.memref_slice %arg3[%mul3A_6] : memref<160000xi32, #tpu.memory_space<hbm>> -> memref<4992xi32, #tpu.memory_space<hbm>>
      %dma_wait3A_38 = arith.constant 0 : i32
      %dma_wait3A_39 = tpu.memref_slice %arg5[%dma_wait3A_38] : memref<5120xi32, #tpu.memory_space<vmem>> -> memref<4992xi32, #tpu.memory_space<vmem>>
      %dma_wait3A_40 = tpu.memref_slice %arg3[%mul3A_6] : memref<160000xi32, #tpu.memory_space<hbm>> -> memref<4992xi32, #tpu.memory_space<hbm>>
      tpu.wait_dma2 semaphore(%run_scoped3A : memref<!tpu.dma_semaphore, #tpu.memory_space<semaphore_mem>>) src(%dma_wait3A_40 : memref<4992xi32, #tpu.memory_space<hbm>>) dst(%dma_wait3A_39 : memref<4992xi32, #tpu.memory_space<vmem>>)
      tpu.yield
    }) : () -> ()
    %lt3A = arith.constant 2 : i32
    %lt3A_7 = arith.cmpi slt, %add3A, %lt3A : i32
    %convert_element_type3A = arith.extui %lt3A_7 : i1 to i32
    %cond3A = arith.constant 0 : i32
    %cond3A_8 = arith.cmpi ne, %convert_element_type3A, %cond3A : i32
    scf.if %cond3A_8 {
      %add3A_30 = arith.constant 4992 : i32
      %add3A_31 = arith.addi %mul3A_6, %add3A_30 : i32
      "tpu.region"() ({
        %run_scoped3A = tpu.sem_alloc : memref<!tpu.dma_semaphore, #tpu.memory_space<semaphore_mem>>
        %dma_start3A_32 = arith.constant 4992 : i32
        %dma_start3A_33 = tpu.memref_slice %arg5[%dma_start3A_32] : memref<5120xi32, #tpu.memory_space<vmem>> -> memref<128xi32, #tpu.memory_space<vmem>>
        %dma_start3A_34 = tpu.memref_slice %arg3[%add3A_31] : memref<160000xi32, #tpu.memory_space<hbm>> -> memref<128xi32, #tpu.memory_space<hbm>>
        %dma_start3A_35 = arith.constant 4992 : i32
        %dma_start3A_36 = tpu.memref_slice %arg5[%dma_start3A_35] : memref<5120xi32, #tpu.memory_space<vmem>> -> memref<128xi32, #tpu.memory_space<vmem>>
        %dma_start3A_37 = tpu.memref_slice %arg3[%add3A_31] : memref<160000xi32, #tpu.memory_space<hbm>> -> memref<128xi32, #tpu.memory_space<hbm>>
        tpu.enqueue_dma source(%dma_start3A_37 : memref<128xi32, #tpu.memory_space<hbm>>) target(%dma_start3A_36 : memref<128xi32, #tpu.memory_space<vmem>>) target_semaphore(%run_scoped3A : memref<!tpu.dma_semaphore, #tpu.memory_space<semaphore_mem>>)
        %dma_wait3A = arith.constant 4992 : i32
        %dma_wait3A_38 = tpu.memref_slice %arg5[%dma_wait3A] : memref<5120xi32, #tpu.memory_space<vmem>> -> memref<128xi32, #tpu.memory_space<vmem>>
        %dma_wait3A_39 = tpu.memref_slice %arg3[%add3A_31] : memref<160000xi32, #tpu.memory_space<hbm>> -> memref<128xi32, #tpu.memory_space<hbm>>
        %dma_wait3A_40 = arith.constant 4992 : i32
        %dma_wait3A_41 = tpu.memref_slice %arg5[%dma_wait3A_40] : memref<5120xi32, #tpu.memory_space<vmem>> -> memref<128xi32, #tpu.memory_space<vmem>>
        %dma_wait3A_42 = tpu.memref_slice %arg3[%add3A_31] : memref<160000xi32, #tpu.memory_space<hbm>> -> memref<128xi32, #tpu.memory_space<hbm>>
        tpu.wait_dma2 semaphore(%run_scoped3A : memref<!tpu.dma_semaphore, #tpu.memory_space<semaphore_mem>>) src(%dma_wait3A_42 : memref<128xi32, #tpu.memory_space<hbm>>) dst(%dma_wait3A_41 : memref<128xi32, #tpu.memory_space<vmem>>)
        tpu.yield
      }) : () -> ()
    } else {
    }
    %dma_start3A = arith.constant 0 : i32
    %dma_start3A_9 = tpu.memref_slice %arg5[%dma_start3A] : memref<5120xi32, #tpu.memory_space<vmem>> -> memref<128xi32, #tpu.memory_space<vmem>>
    %dma_start3A_10 = arith.constant 0 : i32
    %dma_start3A_11 = arith.constant 0 : i32
    %dma_start3A_12 = tpu.memref_slice %arg2[%dma_start3A_10, %dma_start3A_11] : memref<10000x16xf32, #tpu.memory_space<hbm>> -> memref<10000x16xf32, #tpu.memory_space<hbm>>
    tpu.enqueue_indirect_dma source(%dma_start3A_12 : memref<10000x16xf32, #tpu.memory_space<hbm>>) target(%arg6 : memref<128x16xf32, #tpu.memory_space<vmem>>) offsets(%dma_start3A_9 : memref<128xi32, #tpu.memory_space<vmem>>) semaphore(%arg8 : memref<!tpu.dma_semaphore, #tpu.memory_space<semaphore_mem>>)
    %scan3A = arith.constant 0 : i32
    %scan3A_13 = arith.constant 0 : i32
    %scan3A_14 = arith.constant 19 : i32
    %scan3A_15 = arith.addi %scan3A_13, %scan3A_14 : i32
    %scan3A_16 = arith.constant 1 : i32
    scf.for %scan3A_30 = %scan3A_13 to %scan3A_15 step %scan3A_16  : i32 {
      %mul3A_31 = arith.constant 2 : i32
      %mul3A_32 = arith.muli %mul3A_31, %scan3A_30 : i32
      %add3A_33 = arith.constant 1 : i32
      %add3A_34 = arith.addi %mul3A_32, %add3A_33 : i32
      %mul3A_35 = arith.constant 2 : i32
      %mul3A_36 = arith.muli %mul3A_35, %scan3A_30 : i32
      %add3A_37 = arith.constant 2 : i32
      %add3A_38 = arith.addi %mul3A_36, %add3A_37 : i32
      %mul3A_39 = arith.constant 128 : i32
      %mul3A_40 = arith.muli %add3A_34, %mul3A_39 : i32
      %dma_start3A_41 = tpu.memref_slice %arg5[%mul3A_40] : memref<5120xi32, #tpu.memory_space<vmem>> -> memref<128xi32, #tpu.memory_space<vmem>>
      %dma_start3A_42 = arith.constant 0 : i32
      %dma_start3A_43 = arith.constant 0 : i32
      %dma_start3A_44 = tpu.memref_slice %arg2[%dma_start3A_42, %dma_start3A_43] : memref<10000x16xf32, #tpu.memory_space<hbm>> -> memref<10000x16xf32, #tpu.memory_space<hbm>>
      tpu.enqueue_indirect_dma source(%dma_start3A_44 : memref<10000x16xf32, #tpu.memory_space<hbm>>) target(%arg7 : memref<128x16xf32, #tpu.memory_space<vmem>>) offsets(%dma_start3A_41 : memref<128xi32, #tpu.memory_space<vmem>>) semaphore(%arg9 : memref<!tpu.dma_semaphore, #tpu.memory_space<semaphore_mem>>)
      tpu.wait_dma2 semaphore(%arg8 : memref<!tpu.dma_semaphore, #tpu.memory_space<semaphore_mem>>) src(%arg2 : memref<10000x16xf32, #tpu.memory_space<hbm>>) dst(%arg6 : memref<128x16xf32, #tpu.memory_space<vmem>>)
      %sub3A = arith.constant 1 : i32
      %sub3A_45 = arith.subi %add3A_34, %sub3A : i32
      %mul3A_46 = arith.constant 128 : i32
      %mul3A_47 = arith.muli %sub3A_45, %mul3A_46 : i32
      %add3A_48 = arith.addi %mul3A_6, %mul3A_47 : i32
      "tpu.region"() ({
        %run_scoped3A = tpu.sem_alloc : memref<!tpu.dma_semaphore, #tpu.memory_space<semaphore_mem>>
        %dma_start3A_58 = arith.constant 0 : i32
        %dma_start3A_59 = tpu.memref_slice %arg4[%add3A_48, %dma_start3A_58] : memref<160000x16xf32, #tpu.memory_space<hbm>> -> memref<128x16xf32, #tpu.memory_space<hbm>>
        %dma_start3A_60 = arith.constant 0 : i32
        %dma_start3A_61 = tpu.memref_slice %arg4[%add3A_48, %dma_start3A_60] : memref<160000x16xf32, #tpu.memory_space<hbm>> -> memref<128x16xf32, #tpu.memory_space<hbm>>
        tpu.enqueue_dma source(%arg6 : memref<128x16xf32, #tpu.memory_space<vmem>>) target(%dma_start3A_61 : memref<128x16xf32, #tpu.memory_space<hbm>>) target_semaphore(%run_scoped3A : memref<!tpu.dma_semaphore, #tpu.memory_space<semaphore_mem>>)
        %dma_wait3A = arith.constant 0 : i32
        %dma_wait3A_62 = tpu.memref_slice %arg4[%add3A_48, %dma_wait3A] : memref<160000x16xf32, #tpu.memory_space<hbm>> -> memref<128x16xf32, #tpu.memory_space<hbm>>
        %dma_wait3A_63 = arith.constant 0 : i32
        %dma_wait3A_64 = tpu.memref_slice %arg4[%add3A_48, %dma_wait3A_63] : memref<160000x16xf32, #tpu.memory_space<hbm>> -> memref<128x16xf32, #tpu.memory_space<hbm>>
        tpu.wait_dma2 semaphore(%run_scoped3A : memref<!tpu.dma_semaphore, #tpu.memory_space<semaphore_mem>>) src(%arg6 : memref<128x16xf32, #tpu.memory_space<vmem>>) dst(%dma_wait3A_64 : memref<128x16xf32, #tpu.memory_space<hbm>>)
        tpu.yield
      }) : () -> ()
      %mul3A_49 = arith.constant 128 : i32
      %mul3A_50 = arith.muli %add3A_38, %mul3A_49 : i32
      %dma_start3A_51 = tpu.memref_slice %arg5[%mul3A_50] : memref<5120xi32, #tpu.memory_space<vmem>> -> memref<128xi32, #tpu.memory_space<vmem>>
      %dma_start3A_52 = arith.constant 0 : i32
      %dma_start3A_53 = arith.constant 0 : i32
      %dma_start3A_54 = tpu.memref_slice %arg2[%dma_start3A_52, %dma_start3A_53] : memref<10000x16xf32, #tpu.memory_space<hbm>> -> memref<10000x16xf32, #tpu.memory_space<hbm>>
      tpu.enqueue_indirect_dma source(%dma_start3A_54 : memref<10000x16xf32, #tpu.memory_space<hbm>>) target(%arg6 : memref<128x16xf32, #tpu.memory_space<vmem>>) offsets(%dma_start3A_51 : memref<128xi32, #tpu.memory_space<vmem>>) semaphore(%arg8 : memref<!tpu.dma_semaphore, #tpu.memory_space<semaphore_mem>>)
      tpu.wait_dma2 semaphore(%arg9 : memref<!tpu.dma_semaphore, #tpu.memory_space<semaphore_mem>>) src(%arg2 : memref<10000x16xf32, #tpu.memory_space<hbm>>) dst(%arg7 : memref<128x16xf32, #tpu.memory_space<vmem>>)
      %mul3A_55 = arith.constant 128 : i32
      %mul3A_56 = arith.muli %add3A_34, %mul3A_55 : i32
      %add3A_57 = arith.addi %mul3A_6, %mul3A_56 : i32
      "tpu.region"() ({
        %run_scoped3A = tpu.sem_alloc : memref<!tpu.dma_semaphore, #tpu.memory_space<semaphore_mem>>
        %dma_start3A_58 = arith.constant 0 : i32
        %dma_start3A_59 = tpu.memref_slice %arg4[%add3A_57, %dma_start3A_58] : memref<160000x16xf32, #tpu.memory_space<hbm>> -> memref<128x16xf32, #tpu.memory_space<hbm>>
        %dma_start3A_60 = arith.constant 0 : i32
        %dma_start3A_61 = tpu.memref_slice %arg4[%add3A_57, %dma_start3A_60] : memref<160000x16xf32, #tpu.memory_space<hbm>> -> memref<128x16xf32, #tpu.memory_space<hbm>>
        tpu.enqueue_dma source(%arg7 : memref<128x16xf32, #tpu.memory_space<vmem>>) target(%dma_start3A_61 : memref<128x16xf32, #tpu.memory_space<hbm>>) target_semaphore(%run_scoped3A : memref<!tpu.dma_semaphore, #tpu.memory_space<semaphore_mem>>)
        %dma_wait3A = arith.constant 0 : i32
        %dma_wait3A_62 = tpu.memref_slice %arg4[%add3A_57, %dma_wait3A] : memref<160000x16xf32, #tpu.memory_space<hbm>> -> memref<128x16xf32, #tpu.memory_space<hbm>>
        %dma_wait3A_63 = arith.constant 0 : i32
        %dma_wait3A_64 = tpu.memref_slice %arg4[%add3A_57, %dma_wait3A_63] : memref<160000x16xf32, #tpu.memory_space<hbm>> -> memref<128x16xf32, #tpu.memory_space<hbm>>
        tpu.wait_dma2 semaphore(%run_scoped3A : memref<!tpu.dma_semaphore, #tpu.memory_space<semaphore_mem>>) src(%arg7 : memref<128x16xf32, #tpu.memory_space<vmem>>) dst(%dma_wait3A_64 : memref<128x16xf32, #tpu.memory_space<hbm>>)
        tpu.yield
      }) : () -> ()
    }
    %scan3A_17 = arith.constant 19 : i32
    %lt3A_18 = arith.constant 2 : i32
    %lt3A_19 = arith.cmpi slt, %add3A, %lt3A_18 : i32
    %convert_element_type3A_20 = arith.extui %lt3A_19 : i1 to i32
    %cond3A_21 = arith.constant 0 : i32
    %cond3A_22 = arith.cmpi ne, %convert_element_type3A_20, %cond3A_21 : i32
    scf.if %cond3A_22 {
      %dma_start3A_30 = arith.constant 4992 : i32
      %dma_start3A_31 = tpu.memref_slice %arg5[%dma_start3A_30] : memref<5120xi32, #tpu.memory_space<vmem>> -> memref<128xi32, #tpu.memory_space<vmem>>
      %dma_start3A_32 = arith.constant 0 : i32
      %dma_start3A_33 = arith.constant 0 : i32
      %dma_start3A_34 = tpu.memref_slice %arg2[%dma_start3A_32, %dma_start3A_33] : memref<10000x16xf32, #tpu.memory_space<hbm>> -> memref<10000x16xf32, #tpu.memory_space<hbm>>
      tpu.enqueue_indirect_dma source(%dma_start3A_34 : memref<10000x16xf32, #tpu.memory_space<hbm>>) target(%arg7 : memref<128x16xf32, #tpu.memory_space<vmem>>) offsets(%dma_start3A_31 : memref<128xi32, #tpu.memory_space<vmem>>) semaphore(%arg9 : memref<!tpu.dma_semaphore, #tpu.memory_space<semaphore_mem>>)
    } else {
    }
    tpu.wait_dma2 semaphore(%arg8 : memref<!tpu.dma_semaphore, #tpu.memory_space<semaphore_mem>>) src(%arg2 : memref<10000x16xf32, #tpu.memory_space<hbm>>) dst(%arg6 : memref<128x16xf32, #tpu.memory_space<vmem>>)
    %add3A_23 = arith.constant 4864 : i32
    %add3A_24 = arith.addi %mul3A_6, %add3A_23 : i32
    "tpu.region"() ({
      %run_scoped3A = tpu.sem_alloc : memref<!tpu.dma_semaphore, #tpu.memory_space<semaphore_mem>>
      %dma_start3A_30 = arith.constant 0 : i32
      %dma_start3A_31 = tpu.memref_slice %arg4[%add3A_24, %dma_start3A_30] : memref<160000x16xf32, #tpu.memory_space<hbm>> -> memref<128x16xf32, #tpu.memory_space<hbm>>
      %dma_start3A_32 = arith.constant 0 : i32
      %dma_start3A_33 = tpu.memref_slice %arg4[%add3A_24, %dma_start3A_32] : memref<160000x16xf32, #tpu.memory_space<hbm>> -> memref<128x16xf32, #tpu.memory_space<hbm>>
      tpu.enqueue_dma source(%arg6 : memref<128x16xf32, #tpu.memory_space<vmem>>) target(%dma_start3A_33 : memref<128x16xf32, #tpu.memory_space<hbm>>) target_semaphore(%run_scoped3A : memref<!tpu.dma_semaphore, #tpu.memory_space<semaphore_mem>>)
      %dma_wait3A = arith.constant 0 : i32
      %dma_wait3A_34 = tpu.memref_slice %arg4[%add3A_24, %dma_wait3A] : memref<160000x16xf32, #tpu.memory_space<hbm>> -> memref<128x16xf32, #tpu.memory_space<hbm>>
      %dma_wait3A_35 = arith.constant 0 : i32
      %dma_wait3A_36 = tpu.memref_slice %arg4[%add3A_24, %dma_wait3A_35] : memref<160000x16xf32, #tpu.memory_space<hbm>> -> memref<128x16xf32, #tpu.memory_space<hbm>>
      tpu.wait_dma2 semaphore(%run_scoped3A : memref<!tpu.dma_semaphore, #tpu.memory_space<semaphore_mem>>) src(%arg6 : memref<128x16xf32, #tpu.memory_space<vmem>>) dst(%dma_wait3A_36 : memref<128x16xf32, #tpu.memory_space<hbm>>)
      tpu.yield
    }) : () -> ()
    %lt3A_25 = arith.constant 2 : i32
    %lt3A_26 = arith.cmpi slt, %add3A, %lt3A_25 : i32
    %convert_element_type3A_27 = arith.extui %lt3A_26 : i1 to i32
    %cond3A_28 = arith.constant 0 : i32
    %cond3A_29 = arith.cmpi ne, %convert_element_type3A_27, %cond3A_28 : i32
    scf.if %cond3A_29 {
      tpu.wait_dma2 semaphore(%arg9 : memref<!tpu.dma_semaphore, #tpu.memory_space<semaphore_mem>>) src(%arg2 : memref<10000x16xf32, #tpu.memory_space<hbm>>) dst(%arg7 : memref<128x16xf32, #tpu.memory_space<vmem>>)
      %add3A_30 = arith.constant 4992 : i32
      %add3A_31 = arith.addi %mul3A_6, %add3A_30 : i32
      "tpu.region"() ({
        %run_scoped3A = tpu.sem_alloc : memref<!tpu.dma_semaphore, #tpu.memory_space<semaphore_mem>>
        %dma_start3A_32 = arith.constant 0 : i32
        %dma_start3A_33 = tpu.memref_slice %arg4[%add3A_31, %dma_start3A_32] : memref<160000x16xf32, #tpu.memory_space<hbm>> -> memref<128x16xf32, #tpu.memory_space<hbm>>
        %dma_start3A_34 = arith.constant 0 : i32
        %dma_start3A_35 = tpu.memref_slice %arg4[%add3A_31, %dma_start3A_34] : memref<160000x16xf32, #tpu.memory_space<hbm>> -> memref<128x16xf32, #tpu.memory_space<hbm>>
        tpu.enqueue_dma source(%arg7 : memref<128x16xf32, #tpu.memory_space<vmem>>) target(%dma_start3A_35 : memref<128x16xf32, #tpu.memory_space<hbm>>) target_semaphore(%run_scoped3A : memref<!tpu.dma_semaphore, #tpu.memory_space<semaphore_mem>>)
        %dma_wait3A = arith.constant 0 : i32
        %dma_wait3A_36 = tpu.memref_slice %arg4[%add3A_31, %dma_wait3A] : memref<160000x16xf32, #tpu.memory_space<hbm>> -> memref<128x16xf32, #tpu.memory_space<hbm>>
        %dma_wait3A_37 = arith.constant 0 : i32
        %dma_wait3A_38 = tpu.memref_slice %arg4[%add3A_31, %dma_wait3A_37] : memref<160000x16xf32, #tpu.memory_space<hbm>> -> memref<128x16xf32, #tpu.memory_space<hbm>>
        tpu.wait_dma2 semaphore(%run_scoped3A : memref<!tpu.dma_semaphore, #tpu.memory_space<semaphore_mem>>) src(%arg7 : memref<128x16xf32, #tpu.memory_space<vmem>>) dst(%dma_wait3A_38 : memref<128x16xf32, #tpu.memory_space<hbm>>)
        tpu.yield
      }) : () -> ()
    } else {
    }
    return
  }
}

module attributes {stable_mosaic.version = 14 : i64} {
  func.func @body(%arg0: i32, %arg1: memref<400x16xf32, #tpu.memory_space<vmem>>, %arg2: memref<16x400x16xf32, #tpu.memory_space<vmem>>, %arg3: memref<400x128xf32, #tpu.memory_space<vmem>>, %arg4: memref<16x32xf32, #tpu.memory_space<vmem>>, %arg5: memref<1x32xf32, #tpu.memory_space<vmem>>, %arg6: memref<32x64xf32, #tpu.memory_space<vmem>>, %arg7: memref<128x16xf32, #tpu.memory_space<vmem>>, %arg8: memref<1x16xf32, #tpu.memory_space<vmem>>, %arg9: memref<80x80xf32, #tpu.memory_space<vmem>>, %arg10: memref<1x80xf32, #tpu.memory_space<vmem>>, %arg11: memref<80x128xf32, #tpu.memory_space<vmem>>, %arg12: memref<1x128xf32, #tpu.memory_space<vmem>>, %arg13: memref<16x400x16xbf16, #tpu.memory_space<vmem>>, %arg14: memref<400x128xf32, #tpu.memory_space<vmem>>, %arg15: memref<8x128xf32, #tpu.memory_space<vmem>>) attributes {dimension_semantics = [#tpu.dimension_semantics<arbitrary>], iteration_bounds = array<i64: 25>, scalar_prefetch = 0 : i64, scratch_operands = 0 : i64, tpu.core_type = #tpu.core_type<tc>, window_params = [{transform_indices = @transform_0, window_bounds = array<i64: 400, 16>}, {transform_indices = @transform_1, window_bounds = array<i64: 16, 400, 16>}, {transform_indices = @transform_2, window_bounds = array<i64: 400, 128>}, {pipeline_mode = #tpu.pipeline_mode<synchronous>, transform_indices = @transform_3, window_bounds = array<i64: 16, 32>}, {pipeline_mode = #tpu.pipeline_mode<synchronous>, transform_indices = @transform_4, window_bounds = array<i64: 1, 32>}, {pipeline_mode = #tpu.pipeline_mode<synchronous>, transform_indices = @transform_5, window_bounds = array<i64: 32, 64>}, {pipeline_mode = #tpu.pipeline_mode<synchronous>, transform_indices = @transform_6, window_bounds = array<i64: 128, 16>}, {pipeline_mode = #tpu.pipeline_mode<synchronous>, transform_indices = @transform_7, window_bounds = array<i64: 1, 16>}, {pipeline_mode = #tpu.pipeline_mode<synchronous>, transform_indices = @transform_8, window_bounds = array<i64: 80, 80>}, {pipeline_mode = #tpu.pipeline_mode<synchronous>, transform_indices = @transform_9, window_bounds = array<i64: 1, 80>}, {pipeline_mode = #tpu.pipeline_mode<synchronous>, transform_indices = @transform_10, window_bounds = array<i64: 80, 128>}, {pipeline_mode = #tpu.pipeline_mode<synchronous>, transform_indices = @transform_11, window_bounds = array<i64: 1, 128>}, {transform_indices = @transform_12, window_bounds = array<i64: 16, 400, 16>}, {transform_indices = @transform_13, window_bounds = array<i64: 400, 128>}, {pipeline_mode = #tpu.pipeline_mode<synchronous>, transform_indices = @transform_14, window_bounds = array<i64: 8, 128>}]} {
    %get3A = arith.constant 0 : index
    %get3A_0 = arith.constant 0 : index
    %get3A_1 = arith.constant 0 : index
    %get3A_2 = vector.load %arg2[%get3A, %get3A_0, %get3A_1] : memref<16x400x16xf32, #tpu.memory_space<vmem>>, vector<16x400x16xf32>
    %get3A_3 = arith.constant 0 : index
    %get3A_4 = arith.constant 0 : index
    %get3A_5 = vector.load %arg1[%get3A_3, %get3A_4] : memref<400x16xf32, #tpu.memory_space<vmem>>, vector<400x16xf32>
    %broadcast_in_dim3A = vector.shape_cast %get3A_5 : vector<400x16xf32> to vector<1x400x16xf32>
    %sub3A = vector.broadcast %broadcast_in_dim3A : vector<1x400x16xf32> to vector<16x400x16xf32>
    %sub3A_6 = arith.subf %get3A_2, %sub3A : vector<16x400x16xf32>
    %convert_element_type3A = arith.truncf %sub3A_6 : vector<16x400x16xf32> to vector<16x400x16xbf16>
    %swap3A = arith.constant 0 : index
    %swap3A_7 = arith.constant 0 : index
    %swap3A_8 = arith.constant 0 : index
    %swap3A_9 = vector.load %arg13[%swap3A, %swap3A_7, %swap3A_8] : memref<16x400x16xbf16, #tpu.memory_space<vmem>>, vector<16x400x16xbf16>
    tpu.vector_store %arg13[%swap3A, %swap3A_7, %swap3A_8], %convert_element_type3A {strides = array<i32>} : memref<16x400x16xbf16, #tpu.memory_space<vmem>>, vector<16x400x16xbf16>,
    %reshape3A = vector.shape_cast %sub3A_6 : vector<16x400x16xf32> to vector<6400x16xf32>
    %mul3A = arith.mulf %reshape3A, %reshape3A : vector<6400x16xf32>
    %reduce_sum3A = arith.constant dense<0.000000e+00> : vector<6400xf32>
    %reduce_sum3A_10 = vector.multi_reduction <add>, %mul3A, %reduce_sum3A [1] : vector<6400x16xf32> to vector<6400xf32>
    %broadcast_in_dim3A_11 = vector.shape_cast %reduce_sum3A_10 : vector<6400xf32> to vector<6400x1xf32>
    %get3A_12 = arith.constant 0 : index
    %get3A_13 = arith.constant 0 : index
    %get3A_14 = vector.load %arg4[%get3A_12, %get3A_13] : memref<16x32xf32, #tpu.memory_space<vmem>>, vector<16x32xf32>
    %dot_general3A = arith.constant dense<0.000000e+00> : vector<6400x32xf32>
    %dot_general3A_15 = tpu.matmul %reshape3A, %get3A_14, %dot_general3A {dimension_numbers = #tpu.dot_dimension_numbers<[1], [0], [0], [1], [0, 0, 1, 1], [], []>, transpose_lhs_hint = false} : vector<6400x16xf32>, vector<16x32xf32>, vector<6400x32xf32> -> vector<6400x32xf32>
    %mul3A_16 = arith.mulf %dot_general3A_15, %dot_general3A_15 : vector<6400x32xf32>
    %neg3A = arith.constant 0.000000e+00 : f32
    %neg3A_17 = vector.broadcast %neg3A : f32 to vector<6400x32xf32>
    %neg3A_18 = arith.subf %neg3A_17, %mul3A_16 : vector<6400x32xf32>
    %get3A_19 = arith.constant 0 : index
    %get3A_20 = arith.constant 0 : index
    %get3A_21 = vector.load %arg5[%get3A_19, %get3A_20] : memref<1x32xf32, #tpu.memory_space<vmem>>, vector<1x32xf32>
    %mul3A_22 = vector.broadcast %get3A_21 : vector<1x32xf32> to vector<6400x32xf32>
    %mul3A_23 = arith.mulf %neg3A_18, %mul3A_22 : vector<6400x32xf32>
    %mul3A_24 = arith.constant 1.250000e+01 : f32
    %mul3A_25 = vector.broadcast %mul3A_24 : f32 to vector<6400x1xf32>
    %mul3A_26 = arith.mulf %broadcast_in_dim3A_11, %mul3A_25 : vector<6400x1xf32>
    %sub3A_27 = vector.broadcast %mul3A_26 : vector<6400x1xf32> to vector<6400x32xf32>
    %sub3A_28 = arith.subf %mul3A_23, %sub3A_27 : vector<6400x32xf32>
    %exp3A = math.exp %sub3A_28 : vector<6400x32xf32>
    %reshape3A_29 = vector.shape_cast %exp3A : vector<6400x32xf32> to vector<16x400x32xf32>
    %reduce_sum3A_30 = arith.constant dense<0.000000e+00> : vector<400x32xf32>
    %reduce_sum3A_31 = vector.multi_reduction <add>, %reshape3A_29, %reduce_sum3A_30 [0] : vector<16x400x32xf32> to vector<400x32xf32>
    %div3A = arith.constant 1.600000e+01 : f32
    %div3A_32 = vector.broadcast %div3A : f32 to vector<400x32xf32>
    %div3A_33 = arith.divf %reduce_sum3A_31, %div3A_32 : vector<400x32xf32>
    %get3A_34 = arith.constant 0 : index
    %get3A_35 = arith.constant 0 : index
    %get3A_36 = vector.load %arg6[%get3A_34, %get3A_35] : memref<32x64xf32, #tpu.memory_space<vmem>>, vector<32x64xf32>
    %dot_general3A_37 = arith.constant dense<0.000000e+00> : vector<400x64xf32>
    %dot_general3A_38 = tpu.matmul %div3A_33, %get3A_36, %dot_general3A_37 {dimension_numbers = #tpu.dot_dimension_numbers<[1], [0], [0], [1], [0, 0, 1, 1], [], []>, transpose_lhs_hint = false} : vector<400x32xf32>, vector<32x64xf32>, vector<400x64xf32> -> vector<400x64xf32>
    %get3A_39 = arith.constant 0 : index
    %get3A_40 = arith.constant 0 : index
    %get3A_41 = vector.load %arg3[%get3A_39, %get3A_40] : memref<400x128xf32, #tpu.memory_space<vmem>>, vector<400x128xf32>
    %get3A_42 = arith.constant 0 : index
    %get3A_43 = arith.constant 0 : index
    %get3A_44 = vector.load %arg7[%get3A_42, %get3A_43] : memref<128x16xf32, #tpu.memory_space<vmem>>, vector<128x16xf32>
    %dot_general3A_45 = arith.constant dense<0.000000e+00> : vector<400x16xf32>
    %dot_general3A_46 = tpu.matmul %get3A_41, %get3A_44, %dot_general3A_45 {dimension_numbers = #tpu.dot_dimension_numbers<[1], [0], [0], [1], [0, 0, 1, 1], [], []>, transpose_lhs_hint = false} : vector<400x128xf32>, vector<128x16xf32>, vector<400x16xf32> -> vector<400x16xf32>
    %get3A_47 = arith.constant 0 : index
    %get3A_48 = arith.constant 0 : index
    %get3A_49 = vector.load %arg8[%get3A_47, %get3A_48] : memref<1x16xf32, #tpu.memory_space<vmem>>, vector<1x16xf32>
    %add3A = vector.broadcast %get3A_49 : vector<1x16xf32> to vector<400x16xf32>
    %add3A_50 = arith.addf %dot_general3A_46, %add3A : vector<400x16xf32>
    %concatenate3A = tpu.concatenate %add3A_50, %dot_general3A_38 in 1 : vector<400x16xf32>, vector<400x64xf32> -> vector<400x80xf32>
    %get3A_51 = arith.constant 0 : index
    %get3A_52 = arith.constant 0 : index
    %get3A_53 = vector.load %arg9[%get3A_51, %get3A_52] : memref<80x80xf32, #tpu.memory_space<vmem>>, vector<80x80xf32>
    %dot_general3A_54 = arith.constant dense<0.000000e+00> : vector<400x80xf32>
    %dot_general3A_55 = tpu.matmul %concatenate3A, %get3A_53, %dot_general3A_54 {dimension_numbers = #tpu.dot_dimension_numbers<[1], [0], [0], [1], [0, 0, 1, 1], [], []>, transpose_lhs_hint = false} : vector<400x80xf32>, vector<80x80xf32>, vector<400x80xf32> -> vector<400x80xf32>
    %get3A_56 = arith.constant 0 : index
    %get3A_57 = arith.constant 0 : index
    %get3A_58 = vector.load %arg10[%get3A_56, %get3A_57] : memref<1x80xf32, #tpu.memory_space<vmem>>, vector<1x80xf32>
    %add3A_59 = vector.broadcast %get3A_58 : vector<1x80xf32> to vector<400x80xf32>
    %add3A_60 = arith.addf %dot_general3A_55, %add3A_59 : vector<400x80xf32>
    %integer_pow3A = arith.mulf %add3A_60, %add3A_60 : vector<400x80xf32>
    %integer_pow3A_61 = arith.mulf %add3A_60, %integer_pow3A : vector<400x80xf32>
    %mul3A_62 = arith.constant 4.471500e-02 : f32
    %mul3A_63 = vector.broadcast %mul3A_62 : f32 to vector<400x80xf32>
    %mul3A_64 = arith.mulf %mul3A_63, %integer_pow3A_61 : vector<400x80xf32>
    %add3A_65 = arith.addf %add3A_60, %mul3A_64 : vector<400x80xf32>
    %mul3A_66 = arith.constant 0.797884583 : f32
    %mul3A_67 = vector.broadcast %mul3A_66 : f32 to vector<400x80xf32>
    %mul3A_68 = arith.mulf %mul3A_67, %add3A_65 : vector<400x80xf32>
    %tanh3A = math.tanh %mul3A_68 : vector<400x80xf32>
    %add3A_69 = arith.constant 1.000000e+00 : f32
    %add3A_70 = vector.broadcast %add3A_69 : f32 to vector<400x80xf32>
    %add3A_71 = arith.addf %add3A_70, %tanh3A : vector<400x80xf32>
    %mul3A_72 = arith.constant 5.000000e-01 : f32
    %mul3A_73 = vector.broadcast %mul3A_72 : f32 to vector<400x80xf32>
    %mul3A_74 = arith.mulf %mul3A_73, %add3A_71 : vector<400x80xf32>
    %mul3A_75 = arith.mulf %add3A_60, %mul3A_74 : vector<400x80xf32>
    %get3A_76 = arith.constant 0 : index
    %get3A_77 = arith.constant 0 : index
    %get3A_78 = vector.load %arg11[%get3A_76, %get3A_77] : memref<80x128xf32, #tpu.memory_space<vmem>>, vector<80x128xf32>
    %dot_general3A_79 = arith.constant dense<0.000000e+00> : vector<400x128xf32>
    %dot_general3A_80 = tpu.matmul %mul3A_75, %get3A_78, %dot_general3A_79 {dimension_numbers = #tpu.dot_dimension_numbers<[1], [0], [0], [1], [0, 0, 1, 1], [], []>, transpose_lhs_hint = false} : vector<400x80xf32>, vector<80x128xf32>, vector<400x128xf32> -> vector<400x128xf32>
    %get3A_81 = arith.constant 0 : index
    %get3A_82 = arith.constant 0 : index
    %get3A_83 = vector.load %arg12[%get3A_81, %get3A_82] : memref<1x128xf32, #tpu.memory_space<vmem>>, vector<1x128xf32>
    %add3A_84 = vector.broadcast %get3A_83 : vector<1x128xf32> to vector<400x128xf32>
    %add3A_85 = arith.addf %dot_general3A_80, %add3A_84 : vector<400x128xf32>
    %add3A_86 = arith.addf %get3A_41, %add3A_85 : vector<400x128xf32>
    %swap3A_87 = arith.constant 0 : index
    %swap3A_88 = arith.constant 0 : index
    %swap3A_89 = vector.load %arg14[%swap3A_87, %swap3A_88] : memref<400x128xf32, #tpu.memory_space<vmem>>, vector<400x128xf32>
    tpu.vector_store %arg14[%swap3A_87, %swap3A_88], %add3A_86 {strides = array<i32>} : memref<400x128xf32, #tpu.memory_space<vmem>>, vector<400x128xf32>,
    %eq3A = arith.constant 0 : i32
    %eq3A_90 = arith.cmpi eq, %arg0, %eq3A : i32
    %convert_element_type3A_91 = arith.extui %eq3A_90 : i1 to i32
    %cond3A = arith.constant 0 : i32
    %cond3A_92 = arith.cmpi ne, %convert_element_type3A_91, %cond3A : i32
    scf.if %cond3A_92 {
      %broadcast_in_dim3A_110 = arith.constant 0.000000e+00 : f32
      %broadcast_in_dim3A_111 = vector.broadcast %broadcast_in_dim3A_110 : f32 to vector<8x128xf32>
      %swap3A_112 = arith.constant 0 : index
      %swap3A_113 = arith.constant 0 : index
      %swap3A_114 = vector.load %arg15[%swap3A_112, %swap3A_113] : memref<8x128xf32, #tpu.memory_space<vmem>>, vector<8x128xf32>
      tpu.vector_store %arg15[%swap3A_112, %swap3A_113], %broadcast_in_dim3A_111 {strides = array<i32>} : memref<8x128xf32, #tpu.memory_space<vmem>>, vector<8x128xf32>,
    } else {
    }
    %reduce_sum3A_93 = arith.constant dense<0.000000e+00> : vector<128xf32>
    %reduce_sum3A_94 = vector.multi_reduction <add>, %add3A_86, %reduce_sum3A_93 [0] : vector<400x128xf32> to vector<128xf32>
    %broadcast_in_dim3A_95 = vector.shape_cast %reduce_sum3A_94 : vector<128xf32> to vector<1x128xf32>
    %mul3A_96 = arith.mulf %add3A_86, %add3A_86 : vector<400x128xf32>
    %reduce_sum3A_97 = arith.constant dense<0.000000e+00> : vector<128xf32>
    %reduce_sum3A_98 = vector.multi_reduction <add>, %mul3A_96, %reduce_sum3A_97 [0] : vector<400x128xf32> to vector<128xf32>
    %broadcast_in_dim3A_99 = vector.shape_cast %reduce_sum3A_98 : vector<128xf32> to vector<1x128xf32>
    %broadcast_in_dim3A_100 = arith.constant 0.000000e+00 : f32
    %broadcast_in_dim3A_101 = vector.broadcast %broadcast_in_dim3A_100 : f32 to vector<6x128xf32>
    %concatenate3A_102 = tpu.concatenate %broadcast_in_dim3A_95, %broadcast_in_dim3A_99, %broadcast_in_dim3A_101 in 0 : vector<1x128xf32>, vector<1x128xf32>, vector<6x128xf32> -> vector<8x128xf32>
    %get3A_103 = arith.constant 0 : index
    %get3A_104 = arith.constant 0 : index
    %get3A_105 = vector.load %arg15[%get3A_103, %get3A_104] : memref<8x128xf32, #tpu.memory_space<vmem>>, vector<8x128xf32>
    %add3A_106 = arith.addf %get3A_105, %concatenate3A_102 : vector<8x128xf32>
    %swap3A_107 = arith.constant 0 : index
    %swap3A_108 = arith.constant 0 : index
    %swap3A_109 = vector.load %arg15[%swap3A_107, %swap3A_108] : memref<8x128xf32, #tpu.memory_space<vmem>>, vector<8x128xf32>
    tpu.vector_store %arg15[%swap3A_107, %swap3A_108], %add3A_106 {strides = array<i32>} : memref<8x128xf32, #tpu.memory_space<vmem>>, vector<8x128xf32>,
    return
  }
  func.func @transform_0(%arg0: i32) -> (i32, i32) {
    %add3A = arith.constant 0 : i32
    %add3A_0 = arith.addi %add3A, %arg0 : i32
    %c0_i32 = arith.constant 0 : i32
    %c0_i32_1 = arith.constant 0 : i32
    return %add3A_0, %c0_i32 : i32, i32
  }
  func.func @transform_1(%arg0: i32) -> (i32, i32, i32) {
    %c0_i32 = arith.constant 0 : i32
    %c0_i32_0 = arith.constant 0 : i32
    %c0_i32_1 = arith.constant 0 : i32
    return %c0_i32, %arg0, %c0_i32_0 : i32, i32, i32
  }
  func.func @transform_2(%arg0: i32) -> (i32, i32) {
    %add3A = arith.constant 0 : i32
    %add3A_0 = arith.addi %add3A, %arg0 : i32
    %c0_i32 = arith.constant 0 : i32
    %c0_i32_1 = arith.constant 0 : i32
    return %add3A_0, %c0_i32 : i32, i32
  }
  func.func @transform_3(%arg0: i32) -> (i32, i32) {
    %c0_i32 = arith.constant 0 : i32
    %c0_i32_0 = arith.constant 0 : i32
    %c0_i32_1 = arith.constant 0 : i32
    return %c0_i32, %c0_i32_0 : i32, i32
  }
  func.func @transform_4(%arg0: i32) -> (i32, i32) {
    %c0_i32 = arith.constant 0 : i32
    %c0_i32_0 = arith.constant 0 : i32
    %c0_i32_1 = arith.constant 0 : i32
    return %c0_i32, %c0_i32_0 : i32, i32
  }
  func.func @transform_5(%arg0: i32) -> (i32, i32) {
    %c0_i32 = arith.constant 0 : i32
    %c0_i32_0 = arith.constant 0 : i32
    %c0_i32_1 = arith.constant 0 : i32
    return %c0_i32, %c0_i32_0 : i32, i32
  }
  func.func @transform_6(%arg0: i32) -> (i32, i32) {
    %c0_i32 = arith.constant 0 : i32
    %c0_i32_0 = arith.constant 0 : i32
    %c0_i32_1 = arith.constant 0 : i32
    return %c0_i32, %c0_i32_0 : i32, i32
  }
  func.func @transform_7(%arg0: i32) -> (i32, i32) {
    %c0_i32 = arith.constant 0 : i32
    %c0_i32_0 = arith.constant 0 : i32
    %c0_i32_1 = arith.constant 0 : i32
    return %c0_i32, %c0_i32_0 : i32, i32
  }
  func.func @transform_8(%arg0: i32) -> (i32, i32) {
    %c0_i32 = arith.constant 0 : i32
    %c0_i32_0 = arith.constant 0 : i32
    %c0_i32_1 = arith.constant 0 : i32
    return %c0_i32, %c0_i32_0 : i32, i32
  }
  func.func @transform_9(%arg0: i32) -> (i32, i32) {
    %c0_i32 = arith.constant 0 : i32
    %c0_i32_0 = arith.constant 0 : i32
    %c0_i32_1 = arith.constant 0 : i32
    return %c0_i32, %c0_i32_0 : i32, i32
  }
  func.func @transform_10(%arg0: i32) -> (i32, i32) {
    %c0_i32 = arith.constant 0 : i32
    %c0_i32_0 = arith.constant 0 : i32
    %c0_i32_1 = arith.constant 0 : i32
    return %c0_i32, %c0_i32_0 : i32, i32
  }
  func.func @transform_11(%arg0: i32) -> (i32, i32) {
    %c0_i32 = arith.constant 0 : i32
    %c0_i32_0 = arith.constant 0 : i32
    %c0_i32_1 = arith.constant 0 : i32
    return %c0_i32, %c0_i32_0 : i32, i32
  }
  func.func @transform_12(%arg0: i32) -> (i32, i32, i32) {
    %c0_i32 = arith.constant 0 : i32
    %c0_i32_0 = arith.constant 0 : i32
    %c0_i32_1 = arith.constant 0 : i32
    return %c0_i32, %arg0, %c0_i32_0 : i32, i32, i32
  }
  func.func @transform_13(%arg0: i32) -> (i32, i32) {
    %c0_i32 = arith.constant 0 : i32
    %c0_i32_0 = arith.constant 0 : i32
    return %arg0, %c0_i32 : i32, i32
  }
  func.func @transform_14(%arg0: i32) -> (i32, i32) {
    %c0_i32 = arith.constant 0 : i32
    %c0_i32_0 = arith.constant 0 : i32
    %c0_i32_1 = arith.constant 0 : i32
    return %c0_i32, %c0_i32_0 : i32, i32
  }
}

module attributes {stable_mosaic.version = 14 : i64} {
  func.func @body(%arg0: i32, %arg1: memref<400x128xf32, #tpu.memory_space<vmem>>, %arg2: memref<8x128xf32, #tpu.memory_space<vmem>>, %arg3: memref<1x128xf32, #tpu.memory_space<vmem>>, %arg4: memref<1x128xf32, #tpu.memory_space<vmem>>, %arg5: memref<128x128xf32, #tpu.memory_space<vmem>>, %arg6: memref<1x128xf32, #tpu.memory_space<vmem>>, %arg7: memref<128x128xf32, #tpu.memory_space<vmem>>, %arg8: memref<128x128xf32, #tpu.memory_space<vmem>>, %arg9: memref<1x128xf32, #tpu.memory_space<vmem>>, %arg10: memref<128x128xf32, #tpu.memory_space<vmem>>, %arg11: memref<1x128xf32, #tpu.memory_space<vmem>>, %arg12: memref<1x128xf32, #tpu.memory_space<vmem>>, %arg13: memref<400x128xf32, #tpu.memory_space<vmem>>, %arg14: memref<400x128xf32, #tpu.memory_space<vmem>>, %arg15: memref<400x128xi32, #tpu.memory_space<vmem>>) attributes {dimension_semantics = [#tpu.dimension_semantics<arbitrary>], iteration_bounds = array<i64: 25>, scalar_prefetch = 0 : i64, scratch_operands = 0 : i64, tpu.core_type = #tpu.core_type<tc>, window_params = [{transform_indices = @transform_0, window_bounds = array<i64: 400, 128>}, {pipeline_mode = #tpu.pipeline_mode<synchronous>, transform_indices = @transform_1, window_bounds = array<i64: 8, 128>}, {pipeline_mode = #tpu.pipeline_mode<synchronous>, transform_indices = @transform_2, window_bounds = array<i64: 1, 128>}, {pipeline_mode = #tpu.pipeline_mode<synchronous>, transform_indices = @transform_3, window_bounds = array<i64: 1, 128>}, {pipeline_mode = #tpu.pipeline_mode<synchronous>, transform_indices = @transform_4, window_bounds = array<i64: 128, 128>}, {pipeline_mode = #tpu.pipeline_mode<synchronous>, transform_indices = @transform_5, window_bounds = array<i64: 1, 128>}, {pipeline_mode = #tpu.pipeline_mode<synchronous>, transform_indices = @transform_6, window_bounds = array<i64: 128, 128>}, {pipeline_mode = #tpu.pipeline_mode<synchronous>, transform_indices = @transform_7, window_bounds = array<i64: 128, 128>}, {pipeline_mode = #tpu.pipeline_mode<synchronous>, transform_indices = @transform_8, window_bounds = array<i64: 1, 128>}, {pipeline_mode = #tpu.pipeline_mode<synchronous>, transform_indices = @transform_9, window_bounds = array<i64: 128, 128>}, {pipeline_mode = #tpu.pipeline_mode<synchronous>, transform_indices = @transform_10, window_bounds = array<i64: 1, 128>}, {pipeline_mode = #tpu.pipeline_mode<synchronous>, transform_indices = @transform_11, window_bounds = array<i64: 1, 128>}, {transform_indices = @transform_12, window_bounds = array<i64: 400, 128>}, {transform_indices = @transform_13, window_bounds = array<i64: 400, 128>}, {transform_indices = @transform_14, window_bounds = array<i64: 400, 128>}]} {
    %get3A = arith.constant 0 : index
    %get3A_0 = arith.constant 0 : index
    %get3A_1 = vector.load %arg2[%get3A, %get3A_0] : memref<8x128xf32, #tpu.memory_space<vmem>>, vector<8x128xf32>
    %slice3A = vector.extract_strided_slice %get3A_1 {offsets = [0, 0], sizes = [1, 128], strides = [1, 1]} : vector<8x128xf32> to vector<1x128xf32>
    %mul3A = arith.constant 9.99999974E-5 : f32
    %mul3A_2 = vector.broadcast %mul3A : f32 to vector<1x128xf32>
    %mul3A_3 = arith.mulf %slice3A, %mul3A_2 : vector<1x128xf32>
    %slice3A_4 = vector.extract_strided_slice %get3A_1 {offsets = [1, 0], sizes = [1, 128], strides = [1, 1]} : vector<8x128xf32> to vector<1x128xf32>
    %mul3A_5 = arith.constant 9.99999974E-5 : f32
    %mul3A_6 = vector.broadcast %mul3A_5 : f32 to vector<1x128xf32>
    %mul3A_7 = arith.mulf %slice3A_4, %mul3A_6 : vector<1x128xf32>
    %mul3A_8 = arith.mulf %mul3A_3, %mul3A_3 : vector<1x128xf32>
    %sub3A = arith.subf %mul3A_7, %mul3A_8 : vector<1x128xf32>
    %get3A_9 = arith.constant 0 : index
    %get3A_10 = arith.constant 0 : index
    %get3A_11 = vector.load %arg3[%get3A_9, %get3A_10] : memref<1x128xf32, #tpu.memory_space<vmem>>, vector<1x128xf32>
    %add3A = arith.constant 9.99999974E-6 : f32
    %add3A_12 = vector.broadcast %add3A : f32 to vector<1x128xf32>
    %add3A_13 = arith.addf %sub3A, %add3A_12 : vector<1x128xf32>
    %rsqrt3A = math.rsqrt %add3A_13 : vector<1x128xf32>
    %mul3A_14 = arith.mulf %get3A_11, %rsqrt3A : vector<1x128xf32>
    %get3A_15 = arith.constant 0 : index
    %get3A_16 = arith.constant 0 : index
    %get3A_17 = vector.load %arg4[%get3A_15, %get3A_16] : memref<1x128xf32, #tpu.memory_space<vmem>>, vector<1x128xf32>
    %mul3A_18 = arith.mulf %mul3A_3, %mul3A_14 : vector<1x128xf32>
    %sub3A_19 = arith.subf %get3A_17, %mul3A_18 : vector<1x128xf32>
    %get3A_20 = arith.constant 0 : index
    %get3A_21 = arith.constant 0 : index
    %get3A_22 = vector.load %arg1[%get3A_20, %get3A_21] : memref<400x128xf32, #tpu.memory_space<vmem>>, vector<400x128xf32>
    %mul3A_23 = vector.broadcast %mul3A_14 : vector<1x128xf32> to vector<400x128xf32>
    %mul3A_24 = arith.mulf %get3A_22, %mul3A_23 : vector<400x128xf32>
    %add3A_25 = vector.broadcast %sub3A_19 : vector<1x128xf32> to vector<400x128xf32>
    %add3A_26 = arith.addf %mul3A_24, %add3A_25 : vector<400x128xf32>
    %integer_pow3A = arith.mulf %add3A_26, %add3A_26 : vector<400x128xf32>
    %integer_pow3A_27 = arith.mulf %add3A_26, %integer_pow3A : vector<400x128xf32>
    %mul3A_28 = arith.constant 4.471500e-02 : f32
    %mul3A_29 = vector.broadcast %mul3A_28 : f32 to vector<400x128xf32>
    %mul3A_30 = arith.mulf %mul3A_29, %integer_pow3A_27 : vector<400x128xf32>
    %add3A_31 = arith.addf %add3A_26, %mul3A_30 : vector<400x128xf32>
    %mul3A_32 = arith.constant 0.797884583 : f32
    %mul3A_33 = vector.broadcast %mul3A_32 : f32 to vector<400x128xf32>
    %mul3A_34 = arith.mulf %mul3A_33, %add3A_31 : vector<400x128xf32>
    %tanh3A = math.tanh %mul3A_34 : vector<400x128xf32>
    %add3A_35 = arith.constant 1.000000e+00 : f32
    %add3A_36 = vector.broadcast %add3A_35 : f32 to vector<400x128xf32>
    %add3A_37 = arith.addf %add3A_36, %tanh3A : vector<400x128xf32>
    %mul3A_38 = arith.constant 5.000000e-01 : f32
    %mul3A_39 = vector.broadcast %mul3A_38 : f32 to vector<400x128xf32>
    %mul3A_40 = arith.mulf %mul3A_39, %add3A_37 : vector<400x128xf32>
    %mul3A_41 = arith.mulf %add3A_26, %mul3A_40 : vector<400x128xf32>
    %swap3A = arith.constant 0 : index
    %swap3A_42 = arith.constant 0 : index
    %swap3A_43 = vector.load %arg13[%swap3A, %swap3A_42] : memref<400x128xf32, #tpu.memory_space<vmem>>, vector<400x128xf32>
    tpu.vector_store %arg13[%swap3A, %swap3A_42], %mul3A_41 {strides = array<i32>} : memref<400x128xf32, #tpu.memory_space<vmem>>, vector<400x128xf32>,
    %get3A_44 = arith.constant 0 : index
    %get3A_45 = arith.constant 0 : index
    %get3A_46 = vector.load %arg5[%get3A_44, %get3A_45] : memref<128x128xf32, #tpu.memory_space<vmem>>, vector<128x128xf32>
    %dot_general3A = arith.constant dense<0.000000e+00> : vector<400x128xf32>
    %dot_general3A_47 = tpu.matmul %mul3A_41, %get3A_46, %dot_general3A {dimension_numbers = #tpu.dot_dimension_numbers<[1], [0], [0], [1], [0, 0, 1, 1], [], []>, transpose_lhs_hint = false} : vector<400x128xf32>, vector<128x128xf32>, vector<400x128xf32> -> vector<400x128xf32>
    %get3A_48 = arith.constant 0 : index
    %get3A_49 = arith.constant 0 : index
    %get3A_50 = vector.load %arg6[%get3A_48, %get3A_49] : memref<1x128xf32, #tpu.memory_space<vmem>>, vector<1x128xf32>
    %add3A_51 = vector.broadcast %get3A_50 : vector<1x128xf32> to vector<400x128xf32>
    %add3A_52 = arith.addf %dot_general3A_47, %add3A_51 : vector<400x128xf32>
    %get3A_53 = arith.constant 0 : index
    %get3A_54 = arith.constant 0 : index
    %get3A_55 = vector.load %arg7[%get3A_53, %get3A_54] : memref<128x128xf32, #tpu.memory_space<vmem>>, vector<128x128xf32>
    %dot_general3A_56 = arith.constant dense<0.000000e+00> : vector<400x128xf32>
    %dot_general3A_57 = tpu.matmul %add3A_52, %get3A_55, %dot_general3A_56 {dimension_numbers = #tpu.dot_dimension_numbers<[1], [0], [0], [1], [0, 0, 1, 1], [], []>, transpose_lhs_hint = false} : vector<400x128xf32>, vector<128x128xf32>, vector<400x128xf32> -> vector<400x128xf32>
    %get3A_58 = arith.constant 0 : index
    %get3A_59 = arith.constant 0 : index
    %get3A_60 = vector.load %arg11[%get3A_58, %get3A_59] : memref<1x128xf32, #tpu.memory_space<vmem>>, vector<1x128xf32>
    %sub3A_61 = vector.broadcast %get3A_60 : vector<1x128xf32> to vector<400x128xf32>
    %sub3A_62 = arith.subf %dot_general3A_57, %sub3A_61 : vector<400x128xf32>
    %swap3A_63 = arith.constant 0 : index
    %swap3A_64 = arith.constant 0 : index
    %swap3A_65 = vector.load %arg14[%swap3A_63, %swap3A_64] : memref<400x128xf32, #tpu.memory_space<vmem>>, vector<400x128xf32>
    tpu.vector_store %arg14[%swap3A_63, %swap3A_64], %sub3A_62 {strides = array<i32>} : memref<400x128xf32, #tpu.memory_space<vmem>>, vector<400x128xf32>,
    %get3A_66 = arith.constant 0 : index
    %get3A_67 = arith.constant 0 : index
    %get3A_68 = vector.load %arg8[%get3A_66, %get3A_67] : memref<128x128xf32, #tpu.memory_space<vmem>>, vector<128x128xf32>
    %dot_general3A_69 = arith.constant dense<0.000000e+00> : vector<400x128xf32>
    %dot_general3A_70 = tpu.matmul %add3A_52, %get3A_68, %dot_general3A_69 {dimension_numbers = #tpu.dot_dimension_numbers<[1], [0], [0], [1], [0, 0, 1, 1], [], []>, transpose_lhs_hint = false} : vector<400x128xf32>, vector<128x128xf32>, vector<400x128xf32> -> vector<400x128xf32>
    %get3A_71 = arith.constant 0 : index
    %get3A_72 = arith.constant 0 : index
    %get3A_73 = vector.load %arg9[%get3A_71, %get3A_72] : memref<1x128xf32, #tpu.memory_space<vmem>>, vector<1x128xf32>
    %add3A_74 = vector.broadcast %get3A_73 : vector<1x128xf32> to vector<400x128xf32>
    %add3A_75 = arith.addf %dot_general3A_70, %add3A_74 : vector<400x128xf32>
    %get3A_76 = arith.constant 0 : index
    %get3A_77 = arith.constant 0 : index
    %get3A_78 = vector.load %arg10[%get3A_76, %get3A_77] : memref<128x128xf32, #tpu.memory_space<vmem>>, vector<128x128xf32>
    %dot_general3A_79 = arith.constant dense<0.000000e+00> : vector<400x128xf32>
    %dot_general3A_80 = tpu.matmul %add3A_52, %get3A_78, %dot_general3A_79 {dimension_numbers = #tpu.dot_dimension_numbers<[1], [0], [0], [1], [0, 0, 1, 1], [], []>, transpose_lhs_hint = false} : vector<400x128xf32>, vector<128x128xf32>, vector<400x128xf32> -> vector<400x128xf32>
    %get3A_81 = arith.constant 0 : index
    %get3A_82 = arith.constant 0 : index
    %get3A_83 = vector.load %arg12[%get3A_81, %get3A_82] : memref<1x128xf32, #tpu.memory_space<vmem>>, vector<1x128xf32>
    %add3A_84 = vector.broadcast %get3A_83 : vector<1x128xf32> to vector<400x128xf32>
    %add3A_85 = arith.addf %dot_general3A_80, %add3A_84 : vector<400x128xf32>
    %bitcast_convert_type3A = tpu.bitcast %add3A_75 : vector<400x128xf32> -> vector<400x128xi32>
    %add3A_86 = arith.constant 32768 : i32
    %add3A_87 = vector.broadcast %add3A_86 : i32 to vector<400x128xi32>
    %add3A_88 = arith.addi %bitcast_convert_type3A, %add3A_87 : vector<400x128xi32>
    %bitcast_convert_type3A_89 = tpu.bitcast %add3A_85 : vector<400x128xf32> -> vector<400x128xi32>
    %add3A_90 = arith.constant 32768 : i32
    %add3A_91 = vector.broadcast %add3A_90 : i32 to vector<400x128xi32>
    %add3A_92 = arith.addi %bitcast_convert_type3A_89, %add3A_91 : vector<400x128xi32>
    %and3A = arith.constant -65536 : i32
    %and3A_93 = vector.broadcast %and3A : i32 to vector<400x128xi32>
    %and3A_94 = arith.andi %add3A_88, %and3A_93 : vector<400x128xi32>
    %shift_right_logical3A = arith.constant 16 : i32
    %shift_right_logical3A_95 = vector.broadcast %shift_right_logical3A : i32 to vector<400x128xi32>
    %shift_right_logical3A_96 = arith.shrui %add3A_92, %shift_right_logical3A_95 : vector<400x128xi32>
    %or3A = arith.ori %and3A_94, %shift_right_logical3A_96 : vector<400x128xi32>
    %bitcast_convert_type3A_97 = tpu.bitcast %or3A : vector<400x128xi32> -> vector<400x128xi32>
    %swap3A_98 = arith.constant 0 : index
    %swap3A_99 = arith.constant 0 : index
    %swap3A_100 = vector.load %arg15[%swap3A_98, %swap3A_99] : memref<400x128xi32, #tpu.memory_space<vmem>>, vector<400x128xi32>
    tpu.vector_store %arg15[%swap3A_98, %swap3A_99], %bitcast_convert_type3A_97 {strides = array<i32>} : memref<400x128xi32, #tpu.memory_space<vmem>>, vector<400x128xi32>,
    return
  }
  func.func @transform_0(%arg0: i32) -> (i32, i32) {
    %c0_i32 = arith.constant 0 : i32
    %c0_i32_0 = arith.constant 0 : i32
    return %arg0, %c0_i32 : i32, i32
  }
  func.func @transform_1(%arg0: i32) -> (i32, i32) {
    %c0_i32 = arith.constant 0 : i32
    %c0_i32_0 = arith.constant 0 : i32
    %c0_i32_1 = arith.constant 0 : i32
    return %c0_i32, %c0_i32_0 : i32, i32
  }
  func.func @transform_2(%arg0: i32) -> (i32, i32) {
    %c0_i32 = arith.constant 0 : i32
    %c0_i32_0 = arith.constant 0 : i32
    %c0_i32_1 = arith.constant 0 : i32
    return %c0_i32, %c0_i32_0 : i32, i32
  }
  func.func @transform_3(%arg0: i32) -> (i32, i32) {
    %c0_i32 = arith.constant 0 : i32
    %c0_i32_0 = arith.constant 0 : i32
    %c0_i32_1 = arith.constant 0 : i32
    return %c0_i32, %c0_i32_0 : i32, i32
  }
  func.func @transform_4(%arg0: i32) -> (i32, i32) {
    %c0_i32 = arith.constant 0 : i32
    %c0_i32_0 = arith.constant 0 : i32
    %c0_i32_1 = arith.constant 0 : i32
    return %c0_i32, %c0_i32_0 : i32, i32
  }
  func.func @transform_5(%arg0: i32) -> (i32, i32) {
    %c0_i32 = arith.constant 0 : i32
    %c0_i32_0 = arith.constant 0 : i32
    %c0_i32_1 = arith.constant 0 : i32
    return %c0_i32, %c0_i32_0 : i32, i32
  }
  func.func @transform_6(%arg0: i32) -> (i32, i32) {
    %c0_i32 = arith.constant 0 : i32
    %c0_i32_0 = arith.constant 0 : i32
    %c0_i32_1 = arith.constant 0 : i32
    return %c0_i32, %c0_i32_0 : i32, i32
  }
  func.func @transform_7(%arg0: i32) -> (i32, i32) {
    %c0_i32 = arith.constant 0 : i32
    %c0_i32_0 = arith.constant 0 : i32
    %c0_i32_1 = arith.constant 0 : i32
    return %c0_i32, %c0_i32_0 : i32, i32
  }
  func.func @transform_8(%arg0: i32) -> (i32, i32) {
    %c0_i32 = arith.constant 0 : i32
    %c0_i32_0 = arith.constant 0 : i32
    %c0_i32_1 = arith.constant 0 : i32
    return %c0_i32, %c0_i32_0 : i32, i32
  }
  func.func @transform_9(%arg0: i32) -> (i32, i32) {
    %c0_i32 = arith.constant 0 : i32
    %c0_i32_0 = arith.constant 0 : i32
    %c0_i32_1 = arith.constant 0 : i32
    return %c0_i32, %c0_i32_0 : i32, i32
  }
  func.func @transform_10(%arg0: i32) -> (i32, i32) {
    %c0_i32 = arith.constant 0 : i32
    %c0_i32_0 = arith.constant 0 : i32
    %c0_i32_1 = arith.constant 0 : i32
    return %c0_i32, %c0_i32_0 : i32, i32
  }
  func.func @transform_11(%arg0: i32) -> (i32, i32) {
    %c0_i32 = arith.constant 0 : i32
    %c0_i32_0 = arith.constant 0 : i32
    %c0_i32_1 = arith.constant 0 : i32
    return %c0_i32, %c0_i32_0 : i32, i32
  }
  func.func @transform_12(%arg0: i32) -> (i32, i32) {
    %c0_i32 = arith.constant 0 : i32
    %c0_i32_0 = arith.constant 0 : i32
    return %arg0, %c0_i32 : i32, i32
  }
  func.func @transform_13(%arg0: i32) -> (i32, i32) {
    %c0_i32 = arith.constant 0 : i32
    %c0_i32_0 = arith.constant 0 : i32
    return %arg0, %c0_i32 : i32, i32
  }
  func.func @transform_14(%arg0: i32) -> (i32, i32) {
    %c0_i32 = arith.constant 0 : i32
    %c0_i32_0 = arith.constant 0 : i32
    return %arg0, %c0_i32 : i32, i32
  }
}

module attributes {stable_mosaic.version = 14 : i64} {
  func.func @body(%arg0: i32, %arg1: memref<16x400x128xi32, #tpu.memory_space<vmem>>, %arg2: memref<16x400x16xbf16, #tpu.memory_space<vmem>>, %arg3: memref<400x128xf32, #tpu.memory_space<vmem>>, %arg4: memref<400x128xf32, #tpu.memory_space<vmem>>, %arg5: memref<16x16xbf16, #tpu.memory_space<vmem>>, %arg6: memref<1x16xf32, #tpu.memory_space<vmem>>, %arg7: memref<16x128xbf16, #tpu.memory_space<vmem>>, %arg8: memref<16x128xbf16, #tpu.memory_space<vmem>>, %arg9: memref<128x128xbf16, #tpu.memory_space<vmem>>, %arg10: memref<128x128xf32, #tpu.memory_space<vmem>>, %arg11: memref<1x128xf32, #tpu.memory_space<vmem>>, %arg12: memref<128x128xf32, #tpu.memory_space<vmem>>, %arg13: memref<1x128xf32, #tpu.memory_space<vmem>>, %arg14: memref<128x128xf32, #tpu.memory_space<vmem>>, %arg15: memref<1x128xf32, #tpu.memory_space<vmem>>, %arg16: memref<400x128xf32, #tpu.memory_space<vmem>>, %arg17: memref<8x128xf32, #tpu.memory_space<vmem>>) attributes {dimension_semantics = [#tpu.dimension_semantics<arbitrary>], iteration_bounds = array<i64: 25>, scalar_prefetch = 0 : i64, scratch_operands = 0 : i64, tpu.core_type = #tpu.core_type<tc>, window_params = [{transform_indices = @transform_0, window_bounds = array<i64: 16, 400, 128>}, {transform_indices = @transform_1, window_bounds = array<i64: 16, 400, 16>}, {transform_indices = @transform_2, window_bounds = array<i64: 400, 128>}, {transform_indices = @transform_3, window_bounds = array<i64: 400, 128>}, {pipeline_mode = #tpu.pipeline_mode<synchronous>, transform_indices = @transform_4, window_bounds = array<i64: 16, 16>}, {pipeline_mode = #tpu.pipeline_mode<synchronous>, transform_indices = @transform_5, window_bounds = array<i64: 1, 16>}, {pipeline_mode = #tpu.pipeline_mode<synchronous>, transform_indices = @transform_6, window_bounds = array<i64: 16, 128>}, {pipeline_mode = #tpu.pipeline_mode<synchronous>, transform_indices = @transform_7, window_bounds = array<i64: 16, 128>}, {pipeline_mode = #tpu.pipeline_mode<synchronous>, transform_indices = @transform_8, window_bounds = array<i64: 128, 128>}, {pipeline_mode = #tpu.pipeline_mode<synchronous>, transform_indices = @transform_9, window_bounds = array<i64: 128, 128>}, {pipeline_mode = #tpu.pipeline_mode<synchronous>, transform_indices = @transform_10, window_bounds = array<i64: 1, 128>}, {pipeline_mode = #tpu.pipeline_mode<synchronous>, transform_indices = @transform_11, window_bounds = array<i64: 128, 128>}, {pipeline_mode = #tpu.pipeline_mode<synchronous>, transform_indices = @transform_12, window_bounds = array<i64: 1, 128>}, {pipeline_mode = #tpu.pipeline_mode<synchronous>, transform_indices = @transform_13, window_bounds = array<i64: 128, 128>}, {pipeline_mode = #tpu.pipeline_mode<synchronous>, transform_indices = @transform_14, window_bounds = array<i64: 1, 128>}, {transform_indices = @transform_15, window_bounds = array<i64: 400, 128>}, {pipeline_mode = #tpu.pipeline_mode<synchronous>, transform_indices = @transform_16, window_bounds = array<i64: 8, 128>}]} {
    %get3A = arith.constant 0 : index
    %get3A_0 = arith.constant 0 : index
    %get3A_1 = arith.constant 0 : index
    %get3A_2 = vector.load %arg2[%get3A, %get3A_0, %get3A_1] : memref<16x400x16xbf16, #tpu.memory_space<vmem>>, vector<16x400x16xbf16>
    %reshape3A = vector.shape_cast %get3A_2 : vector<16x400x16xbf16> to vector<6400x16xbf16>
    %get3A_3 = arith.constant 0 : index
    %get3A_4 = arith.constant 0 : index
    %get3A_5 = vector.load %arg5[%get3A_3, %get3A_4] : memref<16x16xbf16, #tpu.memory_space<vmem>>, vector<16x16xbf16>
    %dot_general3A = arith.constant dense<0.000000e+00> : vector<6400x16xf32>
    %dot_general3A_6 = tpu.matmul %reshape3A, %get3A_5, %dot_general3A {dimension_numbers = #tpu.dot_dimension_numbers<[1], [0], [0], [1], [0, 0, 1, 1], [], []>, transpose_lhs_hint = false} : vector<6400x16xbf16>, vector<16x16xbf16>, vector<6400x16xf32> -> vector<6400x16xf32>
    %get3A_7 = arith.constant 0 : index
    %get3A_8 = arith.constant 0 : index
    %get3A_9 = vector.load %arg6[%get3A_7, %get3A_8] : memref<1x16xf32, #tpu.memory_space<vmem>>, vector<1x16xf32>
    %add3A = vector.broadcast %get3A_9 : vector<1x16xf32> to vector<6400x16xf32>
    %add3A_10 = arith.addf %dot_general3A_6, %add3A : vector<6400x16xf32>
    %max3A = arith.constant 0.000000e+00 : f32
    %max3A_11 = vector.broadcast %max3A : f32 to vector<6400x16xf32>
    %max3A_12 = arith.maximumf %add3A_10, %max3A_11 : vector<6400x16xf32>
    %convert_element_type3A = arith.truncf %max3A_12 : vector<6400x16xf32> to vector<6400x16xbf16>
    %get3A_13 = arith.constant 0 : index
    %get3A_14 = arith.constant 0 : index
    %get3A_15 = vector.load %arg7[%get3A_13, %get3A_14] : memref<16x128xbf16, #tpu.memory_space<vmem>>, vector<16x128xbf16>
    %dot_general3A_16 = arith.constant dense<0.000000e+00> : vector<6400x128xf32>
    %dot_general3A_17 = tpu.matmul %convert_element_type3A, %get3A_15, %dot_general3A_16 {dimension_numbers = #tpu.dot_dimension_numbers<[1], [0], [0], [1], [0, 0, 1, 1], [], []>, transpose_lhs_hint = false} : vector<6400x16xbf16>, vector<16x128xbf16>, vector<6400x128xf32> -> vector<6400x128xf32>
    %reshape3A_18 = vector.shape_cast %dot_general3A_17 : vector<6400x128xf32> to vector<16x400x128xf32>
    %get3A_19 = arith.constant 0 : index
    %get3A_20 = arith.constant 0 : index
    %get3A_21 = vector.load %arg8[%get3A_19, %get3A_20] : memref<16x128xbf16, #tpu.memory_space<vmem>>, vector<16x128xbf16>
    %dot_general3A_22 = arith.constant dense<0.000000e+00> : vector<6400x128xf32>
    %dot_general3A_23 = tpu.matmul %convert_element_type3A, %get3A_21, %dot_general3A_22 {dimension_numbers = #tpu.dot_dimension_numbers<[1], [0], [0], [1], [0, 0, 1, 1], [], []>, transpose_lhs_hint = false} : vector<6400x16xbf16>, vector<16x128xbf16>, vector<6400x128xf32> -> vector<6400x128xf32>
    %convert_element_type3A_24 = arith.truncf %dot_general3A_23 : vector<6400x128xf32> to vector<6400x128xbf16>
    %reshape3A_25 = vector.shape_cast %convert_element_type3A_24 : vector<6400x128xbf16> to vector<16x400x128xbf16>
    %get3A_26 = arith.constant 0 : index
    %get3A_27 = arith.constant 0 : index
    %get3A_28 = arith.constant 0 : index
    %get3A_29 = vector.load %arg1[%get3A_26, %get3A_27, %get3A_28] : memref<16x400x128xi32, #tpu.memory_space<vmem>>, vector<16x400x128xi32>
    %bitcast_convert_type3A = tpu.bitcast %get3A_29 : vector<16x400x128xi32> -> vector<16x400x128xi32>
    %and3A = arith.constant -65536 : i32
    %and3A_30 = vector.broadcast %and3A : i32 to vector<16x400x128xi32>
    %and3A_31 = arith.andi %bitcast_convert_type3A, %and3A_30 : vector<16x400x128xi32>
    %bitcast_convert_type3A_32 = tpu.bitcast %and3A_31 : vector<16x400x128xi32> -> vector<16x400x128xf32>
    %convert_element_type3A_33 = arith.truncf %bitcast_convert_type3A_32 : vector<16x400x128xf32> to vector<16x400x128xbf16>
    %shift_left3A = arith.constant 16 : i32
    %shift_left3A_34 = vector.broadcast %shift_left3A : i32 to vector<16x400x128xi32>
    %shift_left3A_35 = arith.shli %bitcast_convert_type3A, %shift_left3A_34 : vector<16x400x128xi32>
    %bitcast_convert_type3A_36 = tpu.bitcast %shift_left3A_35 : vector<16x400x128xi32> -> vector<16x400x128xf32>
    %get3A_37 = arith.constant 0 : index
    %get3A_38 = arith.constant 0 : index
    %get3A_39 = vector.load %arg3[%get3A_37, %get3A_38] : memref<400x128xf32, #tpu.memory_space<vmem>>, vector<400x128xf32>
    %convert_element_type3A_40 = arith.truncf %get3A_39 : vector<400x128xf32> to vector<400x128xbf16>
    %broadcast_in_dim3A = vector.shape_cast %convert_element_type3A_40 : vector<400x128xbf16> to vector<1x400x128xbf16>
    %sub3A = vector.broadcast %broadcast_in_dim3A : vector<1x400x128xbf16> to vector<16x400x128xbf16>
    %sub3A_41 = arith.subf %convert_element_type3A_33, %sub3A : vector<16x400x128xbf16>
    %add3A_42 = arith.addf %sub3A_41, %reshape3A_25 : vector<16x400x128xbf16>
    %max3A_43 = arith.constant 0.000000e+00 : bf16
    %max3A_44 = vector.broadcast %max3A_43 : bf16 to vector<16x400x128xbf16>
    %max3A_45 = arith.maximumf %add3A_42, %max3A_44 : vector<16x400x128xbf16>
    %reshape3A_46 = vector.shape_cast %max3A_45 : vector<16x400x128xbf16> to vector<6400x128xbf16>
    %get3A_47 = arith.constant 0 : index
    %get3A_48 = arith.constant 0 : index
    %get3A_49 = vector.load %arg9[%get3A_47, %get3A_48] : memref<128x128xbf16, #tpu.memory_space<vmem>>, vector<128x128xbf16>
    %dot_general3A_50 = arith.constant dense<0.000000e+00> : vector<6400x128xf32>
    %dot_general3A_51 = tpu.matmul %reshape3A_46, %get3A_49, %dot_general3A_50 {dimension_numbers = #tpu.dot_dimension_numbers<[1], [0], [0], [1], [0, 0, 1, 1], [], []>, transpose_lhs_hint = false} : vector<6400x128xbf16>, vector<128x128xbf16>, vector<6400x128xf32> -> vector<6400x128xf32>
    %reshape3A_52 = vector.shape_cast %dot_general3A_51 : vector<6400x128xf32> to vector<16x400x128xf32>
    %reduce_max3A = arith.constant dense<0xFF800000> : vector<400x128xf32>
    %reduce_max3A_53 = vector.multi_reduction <maximumf>, %reshape3A_52, %reduce_max3A [0] : vector<16x400x128xf32> to vector<400x128xf32>
    %broadcast_in_dim3A_54 = vector.shape_cast %reduce_max3A_53 : vector<400x128xf32> to vector<1x400x128xf32>
    %sub3A_55 = vector.broadcast %broadcast_in_dim3A_54 : vector<1x400x128xf32> to vector<16x400x128xf32>
    %sub3A_56 = arith.subf %reshape3A_52, %sub3A_55 : vector<16x400x128xf32>
    %exp3A = math.exp %sub3A_56 : vector<16x400x128xf32>
    %reduce_sum3A = arith.constant dense<0.000000e+00> : vector<400x128xf32>
    %reduce_sum3A_57 = vector.multi_reduction <add>, %exp3A, %reduce_sum3A [0] : vector<16x400x128xf32> to vector<400x128xf32>
    %add3A_58 = arith.addf %bitcast_convert_type3A_36, %reshape3A_18 : vector<16x400x128xf32>
    %mul3A = arith.mulf %exp3A, %add3A_58 : vector<16x400x128xf32>
    %reduce_sum3A_59 = arith.constant dense<0.000000e+00> : vector<400x128xf32>
    %reduce_sum3A_60 = vector.multi_reduction <add>, %mul3A, %reduce_sum3A_59 [0] : vector<16x400x128xf32> to vector<400x128xf32>
    %div3A = arith.divf %reduce_sum3A_60, %reduce_sum3A_57 : vector<400x128xf32>
    %get3A_61 = arith.constant 0 : index
    %get3A_62 = arith.constant 0 : index
    %get3A_63 = vector.load %arg4[%get3A_61, %get3A_62] : memref<400x128xf32, #tpu.memory_space<vmem>>, vector<400x128xf32>
    %get3A_64 = arith.constant 0 : index
    %get3A_65 = arith.constant 0 : index
    %get3A_66 = vector.load %arg10[%get3A_64, %get3A_65] : memref<128x128xf32, #tpu.memory_space<vmem>>, vector<128x128xf32>
    %dot_general3A_67 = arith.constant dense<0.000000e+00> : vector<400x128xf32>
    %dot_general3A_68 = tpu.matmul %div3A, %get3A_66, %dot_general3A_67 {dimension_numbers = #tpu.dot_dimension_numbers<[1], [0], [0], [1], [0, 0, 1, 1], [], []>, transpose_lhs_hint = false} : vector<400x128xf32>, vector<128x128xf32>, vector<400x128xf32> -> vector<400x128xf32>
    %add3A_69 = arith.addf %get3A_63, %dot_general3A_68 : vector<400x128xf32>
    %get3A_70 = arith.constant 0 : index
    %get3A_71 = arith.constant 0 : index
    %get3A_72 = vector.load %arg11[%get3A_70, %get3A_71] : memref<1x128xf32, #tpu.memory_space<vmem>>, vector<1x128xf32>
    %add3A_73 = vector.broadcast %get3A_72 : vector<1x128xf32> to vector<400x128xf32>
    %add3A_74 = arith.addf %add3A_69, %add3A_73 : vector<400x128xf32>
    %max3A_75 = arith.constant 0.000000e+00 : f32
    %max3A_76 = vector.broadcast %max3A_75 : f32 to vector<400x128xf32>
    %max3A_77 = arith.maximumf %add3A_74, %max3A_76 : vector<400x128xf32>
    %get3A_78 = arith.constant 0 : index
    %get3A_79 = arith.constant 0 : index
    %get3A_80 = vector.load %arg12[%get3A_78, %get3A_79] : memref<128x128xf32, #tpu.memory_space<vmem>>, vector<128x128xf32>
    %dot_general3A_81 = arith.constant dense<0.000000e+00> : vector<400x128xf32>
    %dot_general3A_82 = tpu.matmul %max3A_77, %get3A_80, %dot_general3A_81 {dimension_numbers = #tpu.dot_dimension_numbers<[1], [0], [0], [1], [0, 0, 1, 1], [], []>, transpose_lhs_hint = false} : vector<400x128xf32>, vector<128x128xf32>, vector<400x128xf32> -> vector<400x128xf32>
    %get3A_83 = arith.constant 0 : index
    %get3A_84 = arith.constant 0 : index
    %get3A_85 = vector.load %arg13[%get3A_83, %get3A_84] : memref<1x128xf32, #tpu.memory_space<vmem>>, vector<1x128xf32>
    %add3A_86 = vector.broadcast %get3A_85 : vector<1x128xf32> to vector<400x128xf32>
    %add3A_87 = arith.addf %dot_general3A_82, %add3A_86 : vector<400x128xf32>
    %integer_pow3A = arith.mulf %add3A_87, %add3A_87 : vector<400x128xf32>
    %integer_pow3A_88 = arith.mulf %add3A_87, %integer_pow3A : vector<400x128xf32>
    %mul3A_89 = arith.constant 4.471500e-02 : f32
    %mul3A_90 = vector.broadcast %mul3A_89 : f32 to vector<400x128xf32>
    %mul3A_91 = arith.mulf %mul3A_90, %integer_pow3A_88 : vector<400x128xf32>
    %add3A_92 = arith.addf %add3A_87, %mul3A_91 : vector<400x128xf32>
    %mul3A_93 = arith.constant 0.797884583 : f32
    %mul3A_94 = vector.broadcast %mul3A_93 : f32 to vector<400x128xf32>
    %mul3A_95 = arith.mulf %mul3A_94, %add3A_92 : vector<400x128xf32>
    %tanh3A = math.tanh %mul3A_95 : vector<400x128xf32>
    %add3A_96 = arith.constant 1.000000e+00 : f32
    %add3A_97 = vector.broadcast %add3A_96 : f32 to vector<400x128xf32>
    %add3A_98 = arith.addf %add3A_97, %tanh3A : vector<400x128xf32>
    %mul3A_99 = arith.constant 5.000000e-01 : f32
    %mul3A_100 = vector.broadcast %mul3A_99 : f32 to vector<400x128xf32>
    %mul3A_101 = arith.mulf %mul3A_100, %add3A_98 : vector<400x128xf32>
    %mul3A_102 = arith.mulf %add3A_87, %mul3A_101 : vector<400x128xf32>
    %get3A_103 = arith.constant 0 : index
    %get3A_104 = arith.constant 0 : index
    %get3A_105 = vector.load %arg14[%get3A_103, %get3A_104] : memref<128x128xf32, #tpu.memory_space<vmem>>, vector<128x128xf32>
    %dot_general3A_106 = arith.constant dense<0.000000e+00> : vector<400x128xf32>
    %dot_general3A_107 = tpu.matmul %mul3A_102, %get3A_105, %dot_general3A_106 {dimension_numbers = #tpu.dot_dimension_numbers<[1], [0], [0], [1], [0, 0, 1, 1], [], []>, transpose_lhs_hint = false} : vector<400x128xf32>, vector<128x128xf32>, vector<400x128xf32> -> vector<400x128xf32>
    %get3A_108 = arith.constant 0 : index
    %get3A_109 = arith.constant 0 : index
    %get3A_110 = vector.load %arg15[%get3A_108, %get3A_109] : memref<1x128xf32, #tpu.memory_space<vmem>>, vector<1x128xf32>
    %add3A_111 = vector.broadcast %get3A_110 : vector<1x128xf32> to vector<400x128xf32>
    %add3A_112 = arith.addf %dot_general3A_107, %add3A_111 : vector<400x128xf32>
    %swap3A = arith.constant 0 : index
    %swap3A_113 = arith.constant 0 : index
    %swap3A_114 = vector.load %arg16[%swap3A, %swap3A_113] : memref<400x128xf32, #tpu.memory_space<vmem>>, vector<400x128xf32>
    tpu.vector_store %arg16[%swap3A, %swap3A_113], %add3A_112 {strides = array<i32>} : memref<400x128xf32, #tpu.memory_space<vmem>>, vector<400x128xf32>,
    %eq3A = arith.constant 0 : i32
    %eq3A_115 = arith.cmpi eq, %arg0, %eq3A : i32
    %convert_element_type3A_116 = arith.extui %eq3A_115 : i1 to i32
    %cond3A = arith.constant 0 : i32
    %cond3A_117 = arith.cmpi ne, %convert_element_type3A_116, %cond3A : i32
    scf.if %cond3A_117 {
      %broadcast_in_dim3A_134 = arith.constant 0.000000e+00 : f32
      %broadcast_in_dim3A_135 = vector.broadcast %broadcast_in_dim3A_134 : f32 to vector<8x128xf32>
      %swap3A_136 = arith.constant 0 : index
      %swap3A_137 = arith.constant 0 : index
      %swap3A_138 = vector.load %arg17[%swap3A_136, %swap3A_137] : memref<8x128xf32, #tpu.memory_space<vmem>>, vector<8x128xf32>
      tpu.vector_store %arg17[%swap3A_136, %swap3A_137], %broadcast_in_dim3A_135 {strides = array<i32>} : memref<8x128xf32, #tpu.memory_space<vmem>>, vector<8x128xf32>,
    } else {
    }
    %reduce_sum3A_118 = arith.constant dense<0.000000e+00> : vector<128xf32>
    %reduce_sum3A_119 = vector.multi_reduction <add>, %add3A_112, %reduce_sum3A_118 [0] : vector<400x128xf32> to vector<128xf32>
    %broadcast_in_dim3A_120 = vector.shape_cast %reduce_sum3A_119 : vector<128xf32> to vector<1x128xf32>
    %mul3A_121 = arith.mulf %add3A_112, %add3A_112 : vector<400x128xf32>
    %reduce_sum3A_122 = arith.constant dense<0.000000e+00> : vector<128xf32>
    %reduce_sum3A_123 = vector.multi_reduction <add>, %mul3A_121, %reduce_sum3A_122 [0] : vector<400x128xf32> to vector<128xf32>
    %broadcast_in_dim3A_124 = vector.shape_cast %reduce_sum3A_123 : vector<128xf32> to vector<1x128xf32>
    %broadcast_in_dim3A_125 = arith.constant 0.000000e+00 : f32
    %broadcast_in_dim3A_126 = vector.broadcast %broadcast_in_dim3A_125 : f32 to vector<6x128xf32>
    %concatenate3A = tpu.concatenate %broadcast_in_dim3A_120, %broadcast_in_dim3A_124, %broadcast_in_dim3A_126 in 0 : vector<1x128xf32>, vector<1x128xf32>, vector<6x128xf32> -> vector<8x128xf32>
    %get3A_127 = arith.constant 0 : index
    %get3A_128 = arith.constant 0 : index
    %get3A_129 = vector.load %arg17[%get3A_127, %get3A_128] : memref<8x128xf32, #tpu.memory_space<vmem>>, vector<8x128xf32>
    %add3A_130 = arith.addf %get3A_129, %concatenate3A : vector<8x128xf32>
    %swap3A_131 = arith.constant 0 : index
    %swap3A_132 = arith.constant 0 : index
    %swap3A_133 = vector.load %arg17[%swap3A_131, %swap3A_132] : memref<8x128xf32, #tpu.memory_space<vmem>>, vector<8x128xf32>
    tpu.vector_store %arg17[%swap3A_131, %swap3A_132], %add3A_130 {strides = array<i32>} : memref<8x128xf32, #tpu.memory_space<vmem>>, vector<8x128xf32>,
    return
  }
  func.func @transform_0(%arg0: i32) -> (i32, i32, i32) {
    %c0_i32 = arith.constant 0 : i32
    %c0_i32_0 = arith.constant 0 : i32
    %c0_i32_1 = arith.constant 0 : i32
    return %c0_i32, %arg0, %c0_i32_0 : i32, i32, i32
  }
  func.func @transform_1(%arg0: i32) -> (i32, i32, i32) {
    %c0_i32 = arith.constant 0 : i32
    %c0_i32_0 = arith.constant 0 : i32
    %c0_i32_1 = arith.constant 0 : i32
    return %c0_i32, %arg0, %c0_i32_0 : i32, i32, i32
  }
  func.func @transform_2(%arg0: i32) -> (i32, i32) {
    %add3A = arith.constant 0 : i32
    %add3A_0 = arith.addi %add3A, %arg0 : i32
    %c0_i32 = arith.constant 0 : i32
    %c0_i32_1 = arith.constant 0 : i32
    return %add3A_0, %c0_i32 : i32, i32
  }
  func.func @transform_3(%arg0: i32) -> (i32, i32) {
    %add3A = arith.constant 0 : i32
    %add3A_0 = arith.addi %add3A, %arg0 : i32
    %c0_i32 = arith.constant 0 : i32
    %c0_i32_1 = arith.constant 0 : i32
    return %add3A_0, %c0_i32 : i32, i32
  }
  func.func @transform_4(%arg0: i32) -> (i32, i32) {
    %c0_i32 = arith.constant 0 : i32
    %c0_i32_0 = arith.constant 0 : i32
    %c0_i32_1 = arith.constant 0 : i32
    return %c0_i32, %c0_i32_0 : i32, i32
  }
  func.func @transform_5(%arg0: i32) -> (i32, i32) {
    %c0_i32 = arith.constant 0 : i32
    %c0_i32_0 = arith.constant 0 : i32
    %c0_i32_1 = arith.constant 0 : i32
    return %c0_i32, %c0_i32_0 : i32, i32
  }
  func.func @transform_6(%arg0: i32) -> (i32, i32) {
    %c0_i32 = arith.constant 0 : i32
    %c0_i32_0 = arith.constant 0 : i32
    %c0_i32_1 = arith.constant 0 : i32
    return %c0_i32, %c0_i32_0 : i32, i32
  }
  func.func @transform_7(%arg0: i32) -> (i32, i32) {
    %c0_i32 = arith.constant 0 : i32
    %c0_i32_0 = arith.constant 0 : i32
    %c0_i32_1 = arith.constant 0 : i32
    return %c0_i32, %c0_i32_0 : i32, i32
  }
  func.func @transform_8(%arg0: i32) -> (i32, i32) {
    %c0_i32 = arith.constant 0 : i32
    %c0_i32_0 = arith.constant 0 : i32
    %c0_i32_1 = arith.constant 0 : i32
    return %c0_i32, %c0_i32_0 : i32, i32
  }
  func.func @transform_9(%arg0: i32) -> (i32, i32) {
    %c0_i32 = arith.constant 0 : i32
    %c0_i32_0 = arith.constant 0 : i32
    %c0_i32_1 = arith.constant 0 : i32
    return %c0_i32, %c0_i32_0 : i32, i32
  }
  func.func @transform_10(%arg0: i32) -> (i32, i32) {
    %c0_i32 = arith.constant 0 : i32
    %c0_i32_0 = arith.constant 0 : i32
    %c0_i32_1 = arith.constant 0 : i32
    return %c0_i32, %c0_i32_0 : i32, i32
  }
  func.func @transform_11(%arg0: i32) -> (i32, i32) {
    %c0_i32 = arith.constant 0 : i32
    %c0_i32_0 = arith.constant 0 : i32
    %c0_i32_1 = arith.constant 0 : i32
    return %c0_i32, %c0_i32_0 : i32, i32
  }
  func.func @transform_12(%arg0: i32) -> (i32, i32) {
    %c0_i32 = arith.constant 0 : i32
    %c0_i32_0 = arith.constant 0 : i32
    %c0_i32_1 = arith.constant 0 : i32
    return %c0_i32, %c0_i32_0 : i32, i32
  }
  func.func @transform_13(%arg0: i32) -> (i32, i32) {
    %c0_i32 = arith.constant 0 : i32
    %c0_i32_0 = arith.constant 0 : i32
    %c0_i32_1 = arith.constant 0 : i32
    return %c0_i32, %c0_i32_0 : i32, i32
  }
  func.func @transform_14(%arg0: i32) -> (i32, i32) {
    %c0_i32 = arith.constant 0 : i32
    %c0_i32_0 = arith.constant 0 : i32
    %c0_i32_1 = arith.constant 0 : i32
    return %c0_i32, %c0_i32_0 : i32, i32
  }
  func.func @transform_15(%arg0: i32) -> (i32, i32) {
    %c0_i32 = arith.constant 0 : i32
    %c0_i32_0 = arith.constant 0 : i32
    return %arg0, %c0_i32 : i32, i32
  }
  func.func @transform_16(%arg0: i32) -> (i32, i32) {
    %c0_i32 = arith.constant 0 : i32
    %c0_i32_0 = arith.constant 0 : i32
    %c0_i32_1 = arith.constant 0 : i32
    return %c0_i32, %c0_i32_0 : i32, i32
  }
}

module attributes {stable_mosaic.version = 14 : i64} {
  func.func @body(%arg0: i32, %arg1: memref<1000x128xf32, #tpu.memory_space<vmem>>, %arg2: memref<8x128xf32, #tpu.memory_space<vmem>>, %arg3: memref<1x128xf32, #tpu.memory_space<vmem>>, %arg4: memref<1x128xf32, #tpu.memory_space<vmem>>, %arg5: memref<1000x128xf32, #tpu.memory_space<vmem>>) attributes {dimension_semantics = [#tpu.dimension_semantics<arbitrary>], iteration_bounds = array<i64: 10>, scalar_prefetch = 0 : i64, scratch_operands = 0 : i64, tpu.core_type = #tpu.core_type<tc>, window_params = [{transform_indices = @transform_0, window_bounds = array<i64: 1000, 128>}, {pipeline_mode = #tpu.pipeline_mode<synchronous>, transform_indices = @transform_1, window_bounds = array<i64: 8, 128>}, {pipeline_mode = #tpu.pipeline_mode<synchronous>, transform_indices = @transform_2, window_bounds = array<i64: 1, 128>}, {pipeline_mode = #tpu.pipeline_mode<synchronous>, transform_indices = @transform_3, window_bounds = array<i64: 1, 128>}, {transform_indices = @transform_4, window_bounds = array<i64: 1000, 128>}]} {
    %get3A = arith.constant 0 : index
    %get3A_0 = arith.constant 0 : index
    %get3A_1 = vector.load %arg2[%get3A, %get3A_0] : memref<8x128xf32, #tpu.memory_space<vmem>>, vector<8x128xf32>
    %slice3A = vector.extract_strided_slice %get3A_1 {offsets = [0, 0], sizes = [1, 128], strides = [1, 1]} : vector<8x128xf32> to vector<1x128xf32>
    %mul3A = arith.constant 9.99999974E-5 : f32
    %mul3A_2 = vector.broadcast %mul3A : f32 to vector<1x128xf32>
    %mul3A_3 = arith.mulf %slice3A, %mul3A_2 : vector<1x128xf32>
    %slice3A_4 = vector.extract_strided_slice %get3A_1 {offsets = [1, 0], sizes = [1, 128], strides = [1, 1]} : vector<8x128xf32> to vector<1x128xf32>
    %mul3A_5 = arith.constant 9.99999974E-5 : f32
    %mul3A_6 = vector.broadcast %mul3A_5 : f32 to vector<1x128xf32>
    %mul3A_7 = arith.mulf %slice3A_4, %mul3A_6 : vector<1x128xf32>
    %mul3A_8 = arith.mulf %mul3A_3, %mul3A_3 : vector<1x128xf32>
    %sub3A = arith.subf %mul3A_7, %mul3A_8 : vector<1x128xf32>
    %get3A_9 = arith.constant 0 : index
    %get3A_10 = arith.constant 0 : index
    %get3A_11 = vector.load %arg3[%get3A_9, %get3A_10] : memref<1x128xf32, #tpu.memory_space<vmem>>, vector<1x128xf32>
    %add3A = arith.constant 9.99999974E-6 : f32
    %add3A_12 = vector.broadcast %add3A : f32 to vector<1x128xf32>
    %add3A_13 = arith.addf %sub3A, %add3A_12 : vector<1x128xf32>
    %rsqrt3A = math.rsqrt %add3A_13 : vector<1x128xf32>
    %mul3A_14 = arith.mulf %get3A_11, %rsqrt3A : vector<1x128xf32>
    %get3A_15 = arith.constant 0 : index
    %get3A_16 = arith.constant 0 : index
    %get3A_17 = vector.load %arg4[%get3A_15, %get3A_16] : memref<1x128xf32, #tpu.memory_space<vmem>>, vector<1x128xf32>
    %mul3A_18 = arith.mulf %mul3A_3, %mul3A_14 : vector<1x128xf32>
    %sub3A_19 = arith.subf %get3A_17, %mul3A_18 : vector<1x128xf32>
    %get3A_20 = arith.constant 0 : index
    %get3A_21 = arith.constant 0 : index
    %get3A_22 = vector.load %arg1[%get3A_20, %get3A_21] : memref<1000x128xf32, #tpu.memory_space<vmem>>, vector<1000x128xf32>
    %mul3A_23 = vector.broadcast %mul3A_14 : vector<1x128xf32> to vector<1000x128xf32>
    %mul3A_24 = arith.mulf %get3A_22, %mul3A_23 : vector<1000x128xf32>
    %add3A_25 = vector.broadcast %sub3A_19 : vector<1x128xf32> to vector<1000x128xf32>
    %add3A_26 = arith.addf %mul3A_24, %add3A_25 : vector<1000x128xf32>
    %integer_pow3A = arith.mulf %add3A_26, %add3A_26 : vector<1000x128xf32>
    %integer_pow3A_27 = arith.mulf %add3A_26, %integer_pow3A : vector<1000x128xf32>
    %mul3A_28 = arith.constant 4.471500e-02 : f32
    %mul3A_29 = vector.broadcast %mul3A_28 : f32 to vector<1000x128xf32>
    %mul3A_30 = arith.mulf %mul3A_29, %integer_pow3A_27 : vector<1000x128xf32>
    %add3A_31 = arith.addf %add3A_26, %mul3A_30 : vector<1000x128xf32>
    %mul3A_32 = arith.constant 0.797884583 : f32
    %mul3A_33 = vector.broadcast %mul3A_32 : f32 to vector<1000x128xf32>
    %mul3A_34 = arith.mulf %mul3A_33, %add3A_31 : vector<1000x128xf32>
    %tanh3A = math.tanh %mul3A_34 : vector<1000x128xf32>
    %add3A_35 = arith.constant 1.000000e+00 : f32
    %add3A_36 = vector.broadcast %add3A_35 : f32 to vector<1000x128xf32>
    %add3A_37 = arith.addf %add3A_36, %tanh3A : vector<1000x128xf32>
    %mul3A_38 = arith.constant 5.000000e-01 : f32
    %mul3A_39 = vector.broadcast %mul3A_38 : f32 to vector<1000x128xf32>
    %mul3A_40 = arith.mulf %mul3A_39, %add3A_37 : vector<1000x128xf32>
    %mul3A_41 = arith.mulf %add3A_26, %mul3A_40 : vector<1000x128xf32>
    %swap3A = arith.constant 0 : index
    %swap3A_42 = arith.constant 0 : index
    %swap3A_43 = vector.load %arg5[%swap3A, %swap3A_42] : memref<1000x128xf32, #tpu.memory_space<vmem>>, vector<1000x128xf32>
    tpu.vector_store %arg5[%swap3A, %swap3A_42], %mul3A_41 {strides = array<i32>} : memref<1000x128xf32, #tpu.memory_space<vmem>>, vector<1000x128xf32>,
    return
  }
  func.func @transform_0(%arg0: i32) -> (i32, i32) {
    %c0_i32 = arith.constant 0 : i32
    %c0_i32_0 = arith.constant 0 : i32
    return %arg0, %c0_i32 : i32, i32
  }
  func.func @transform_1(%arg0: i32) -> (i32, i32) {
    %c0_i32 = arith.constant 0 : i32
    %c0_i32_0 = arith.constant 0 : i32
    %c0_i32_1 = arith.constant 0 : i32
    return %c0_i32, %c0_i32_0 : i32, i32
  }
  func.func @transform_2(%arg0: i32) -> (i32, i32) {
    %c0_i32 = arith.constant 0 : i32
    %c0_i32_0 = arith.constant 0 : i32
    %c0_i32_1 = arith.constant 0 : i32
    return %c0_i32, %c0_i32_0 : i32, i32
  }
  func.func @transform_3(%arg0: i32) -> (i32, i32) {
    %c0_i32 = arith.constant 0 : i32
    %c0_i32_0 = arith.constant 0 : i32
    %c0_i32_1 = arith.constant 0 : i32
    return %c0_i32, %c0_i32_0 : i32, i32
  }
  func.func @transform_4(%arg0: i32) -> (i32, i32) {
    %c0_i32 = arith.constant 0 : i32
    %c0_i32_0 = arith.constant 0 : i32
    return %arg0, %c0_i32 : i32, i32
  }
}

</mosaic_0001>

<sc_bundles>
// kernel: kernel.11.cloned.1.call-start
scs
__scs_entry_jumppad:
0x0: {  	(pc) =	sbr.rel $0x88, $3  }
0x1: {  	(tag) =	ssettag $0x0;
	lr =	simm.s32 $0x1  }
0x2: {  	[smem:$0x3F7E] =	sst lr;
	_ =	strace $0xD0000000  }
0x3: {  	_ = 	snop  }
0x4: {  	_ = 	snop  }
0x5: {  	_ = 	snop  }
0x6: {  	_ = 	snop  }
0x7: {  	_ = 	snop  }
__scs_overlays_trampoline_lowered:
0x8: {  	[smem:$0x3F8D] =	sst s0  }
0x9: {  	[smem:$0x3F8E] =	sst s1  }
0xa: {  	[smem:$0x3F8F] =	sst s2  }
0xb: {  	[smem:$0x3F90] =	sst s3  }
0xc: {  	[smem:$0x3F91] =	sst s4  }
0xd: {  	[smem:$0x3F92] =	sst s5  }
0xe: {  	[smem:$0x3F93] =	sst s6  }
0xf: {  	[smem:$0x3F94] =	sst s7  }
0x10: {  	[smem:$0x3F95] =	sst s8  }
0x11: {  	[smem:$0x3F96] =	sst s9;
	s0 =	simm.s32 @!p0 $0x0  }
0x12: {  	s1 =	sld [smem:$0x3F7C];
	s0 =	simm.s32 @p0 $0x1  }
0x13: {  	[smem:$0x3F97] =	sst s0;
	s0 =	simm.s32 @!p1 $0x0  }
0x14: {  	s2 =	sld [smem:$0x3F7B];
	s0 =	simm.s32 @p1 $0x1  }
0x15: {  	[smem:$0x3F98] =	sst s0;
	s0 =	simm.s32 @!p2 $0x0  }
0x16: {  	s3 =	sld [smem:$0x3FDB];
	s0 =	simm.s32 @p2 $0x1  }
0x17: {  	s4 =	simm.s32 $0x1BF5;
	[smem:$0x3F9A] =	sst s0  }
0x18: {  	s0 =	sld [smem:$0x3F7D];
	_ =	swait.ge [sflag:s4], $0x0  }
0x19: {  	s7 =	sld [smem:$0x3F7E]  }
0x1a: {  	s8 =	sadd.s32 $0xFFFFE003, lr  }
0x1b: {  	s9 =	sadd.s32 $0xFFFFFEF7, lr;
	s5 =	simm.s32 $0xFFFFFFFF;
	p2 =	slt.u32 s8, $0xFFFFF086  }
0x1c: {  	p1 =	slt.u32 s9, $0xF7A;
	s5 =	simm.s32 @!p2 $0x0  }
0x1d: {  	s5 =	simm.s32 @p1 $0x1;
	p0 =	seq.s32 s7, s2  }
0x1e: {  	s7 =	smul.u32 @!p0 $0xF7A, s2;
	p2 =	seq.s32 @!p0 s5, $0x0  }
0x1f: {  	s9 =	smul.u32 $0xF7A, s1;
	s8 =	simm.s32 @!p0 $0x1BF5;
	p2 =	por !p2, p0  }
0x20: {  	[sflag:s8] =	ssyncset.s32 @!p0 $0xFFFFF086;
	s6 =	sadd.s32 @!p0 s3, s7;
	s7 =	simm.s32 @!p0 $0x108  }
0x21: {  	s3 =	sadd.s32 s3, s9;
	s6 =	sadd.s32 @!p0 $0x88, s6;
	s7 =	simm.s32 @p2 $0x1082  }
0x22: {  	[simem:s7], [sflag:s8] =	dma.local @!p0 [hbm:s6], $0xF7A  }
0x23: {  	s9 =	sor.u32 $0xD0000000, s2;
	s6 =	simm.s32 $0x108;
	_ =	swait.ge @!p0 [sflag:s8], $0x0  }
0x24: {  	s3 =	sadd.s32 $0x88, s3;
	s6 =	simm.s32 @!p1 $0x1082;
	[sflag:s4] =	ssyncset.s32 $0xFFFFF086  }
0x25: {  	[simem:s6], [sflag:s4] =	dma.local [hbm:s3], $0xF7A  }
0x26: {  	[smem:$0x3F7E] =	sst s1;
	(tag) =	ssettag s2;
	_ =	strace s9  }
0x27: {  	s1 =	sld [smem:$0x3F8E]  }
0x28: {  	s2 =	sld [smem:$0x3F8F]  }
0x29: {  	s4 =	sld [smem:$0x3F91]  }
0x2a: {  	p0 =	seq.s32 s5, $0x0;
	s5 =	sld [smem:$0x3F92]  }
0x2b: {  	s6 =	sld [smem:$0x3F93]  }
0x2c: {  	s7 =	sld [smem:$0x3F94]  }
0x2d: {  	s3 =	simm.s32 $0x108;
	s8 =	sld [smem:$0x3F95]  }
0x2e: {  	s3 =	simm.s32 @!p0 $0x1082;
	s9 =	sld [smem:$0x3F96]  }
0x2f: {  	lr =	sadd.s32 s0, s3;
	s0 =	sld [smem:$0x3F8D]  }
0x30: {  	s3 =	sld [smem:$0x3F90]  }
0x31: {  	[smem:$0x3F99] =	sst s10  }
0x32: {  	s10 =	sld [smem:$0x3F97];
	_ =	sdelay $0x3  }
0x33: {  	p0 =	seq.s32 s10, $0x1;
	s10 =	sld [smem:$0x3F99];
	_ =	sdelay $0x3  }
0x34: {  	[smem:$0x3F99] =	sst s10  }
0x35: {  	s10 =	sld [smem:$0x3F98];
	_ =	sdelay $0x3  }
0x36: {  	p1 =	seq.s32 s10, $0x1;
	s10 =	sld [smem:$0x3F99];
	_ =	sdelay $0x3  }
0x37: {  	[smem:$0x3F99] =	sst s10  }
0x38: {  	s10 =	sld [smem:$0x3F9A]  }
0x39: {  	_ = 	snop;
	(pc) =	sbr.ind lr, $3  }
0x3a: {  	_ = 	snop  }
0x3b: {  	_ = 	snop  }
0x3c: {  	p2 =	seq.s32 s10, $0x1;
	s10 =	sld [smem:$0x3F99]  }
0x3d: {  	_ =	shalt  }
0x3e: {  	_ =	shalt  }
0x3f: {  	_ =	shalt  }
0x40: {  	_ =	shalt  }
0x41: {  	_ =	shalt  }
0x42: {  	_ =	shalt  }
0x43: {  	_ =	shalt  }
0x44: {  	_ =	shalt  }
0x45: {  	_ =	shalt  }
0x46: {  	_ =	shalt  }
0x47: {  	_ =	shalt  }
0x48: {  	_ =	shalt  }
0x49: {  	_ =	shalt  }
0x4a: {  	_ =	shalt  }
0x4b: {  	_ =	shalt  }
0x4c: {  	_ =	shalt  }
0x4d: {  	_ =	shalt  }
0x4e: {  	_ =	shalt  }
0x4f: {  	_ =	shalt  }
0x50: {  	_ =	shalt  }
0x51: {  	_ =	shalt  }
0x52: {  	_ =	shalt  }
0x53: {  	_ =	shalt  }
0x54: {  	_ =	shalt  }
0x55: {  	_ =	shalt  }
0x56: {  	_ =	shalt  }
0x57: {  	_ =	shalt  }
0x58: {  	_ =	shalt  }
0x59: {  	_ =	shalt  }
0x5a: {  	_ =	shalt  }
0x5b: {  	_ =	shalt  }
0x5c: {  	_ =	shalt  }
0x5d: {  	_ =	shalt  }
0x5e: {  	_ =	shalt  }
0x5f: {  	_ =	shalt  }
0x60: {  	_ =	shalt  }
0x61: {  	_ =	shalt  }
0x62: {  	_ =	shalt  }
0x63: {  	_ =	shalt  }
0x64: {  	_ =	shalt  }
0x65: {  	_ =	shalt  }
0x66: {  	_ =	shalt  }
0x67: {  	_ =	shalt  }
0x68: {  	_ =	shalt  }
0x69: {  	_ =	shalt  }
0x6a: {  	_ =	shalt  }
0x6b: {  	_ =	shalt  }
0x6c: {  	_ =	shalt  }
0x6d: {  	_ =	shalt  }
0x6e: {  	_ =	shalt  }
0x6f: {  	_ =	shalt  }
0x70: {  	_ =	shalt  }
0x71: {  	_ =	shalt  }
0x72: {  	_ =	shalt  }
0x73: {  	_ =	shalt  }
0x74: {  	_ =	shalt  }
0x75: {  	_ =	shalt  }
0x76: {  	_ =	shalt  }
0x77: {  	_ =	shalt  }
0x78: {  	_ =	shalt  }
0x79: {  	_ =	shalt  }
0x7a: {  	_ =	shalt  }
0x7b: {  	_ =	shalt  }
0x7c: {  	_ =	shalt  }
0x7d: {  	_ =	shalt  }
0x7e: {  	_ =	shalt  }
0x7f: {  	_ =	shalt  }
0x80: {  	_ =	shalt  }
0x81: {  	_ =	shalt  }
0x82: {  	_ =	shalt  }
0x83: {  	_ =	shalt  }
0x84: {  	_ =	shalt  }
0x85: {  	_ =	shalt  }
0x86: {  	_ =	shalt  }
0x87: {  	_ =	shalt  }
.Lfunc_end0:
.L_simem_size_0:
called_computation.1_lowered:
.L_overlay_start_0:
0x88: {  	s2 =	sld [smem:$0x3FD9]  }
0x89: {  	s3 =	sld [smem:$0x3FFE];
	_ =	sdelay $0x1  }
0x8a: {  	s1 =	srdreg.scid  }
0x8b: {  	s0 =	sand.u32 $0x1, s1  }
0x8c: {  	s14 =	sshll.u32 s0, $0xA;
	s2 =	sadd.s32 s3, s2  }
0x8d: {  	s2 =	sadd.s32 s2, s14  }
0x8e: {  	[smem:$0x3FA5] =	sst s2  }
0x8f: {  	_ = 	snop  }
0x90: {  	s2 =	sld [smem:$0x3FD0];
	_ =	sdelay $0x2  }
0x91: {  	s15 =	simm.s32 $0xA;
	s4 =	simm.s32 $0x10  }
0x92: {  	[smem:s4], [sflag:s15] =	dma.local [hbm:s2], $0x1  }
0x93: {  	_ =	swait.eq [sflag:s15], $0x1  }
0x94: {  	[sflag:s15] =	ssyncset.done $0x0  }
0x95: {  	[sflag:s15] =	ssyncadd.s32 $0xFFFFFFFF  }
0x96: {  	s16 =	sld [smem:$0x11];
	(tm) =	ssettm $0x1  }
0x97: {  	s17 =	sld [smem:$0x3FFB];
	_ =	sdelay $0x3  }
0x98: {  	_ =	strace s17  }
0x99: {  	s3 =	sld [smem:$0x3FFC];
	_ =	sdelay $0x3  }
0x9a: {  	_ =	strace s3  }
0x9b: {  	s3 =	sld [smem:$0x3FFD];
	_ =	sdelay $0x3  }
0x9c: {  	_ =	strace s3  }
0x9d: {  	_ =	strace $0x8FFFFFFF  }
0x9e: {  	s18 =	sld [smem:$0x3FDB];
	_ =	sdelay $0x1  }
0x9f: {  	s19 =	simm.s32 $_scs_section_size  }
0xa0: {  	s5 =	simm.s32 $_size__tile_overlayer_lowered;
	s6 =	simm.s32 $_tile_overlayer_lowered  }
0xa1: {  	s22 =	simm.s32 $0x1BFF;
	s21 =	sshll.u32 s6, $0x1;
	s3 =	sadd.s32 s19, s18  }
0xa2: {  	s7 =	simm.s32 $0x0;
	s20 =	sshll.u32 s5, $0x1;
	s5 =	sadd.s32 s21, s3  }
0xa3: {  	[timem:s7], [sflag:s22] =	dma.local [hbm:s5], s20  }
0xa4: {  	_ =	swait.ge [sflag:s22], s20  }
0xa5: {  	s4 =	ssub.s32 $0x0, s20;
	[sflag:s22] =	ssyncset.done $0x0  }
0xa6: {  	[sflag:s22] =	ssyncadd.s32 s4;
	_ =	sdelay $0x1  }
0xa7: {  	s23 =	simm.s32 $0x1B8B  }
0xa8: {  	_ =	swait.ge [sflag:s23], $0x1  }
0xa9: {  	[sflag:s23] =	ssyncset.done $0x0  }
0xaa: {  	s25 =	simm.s32 $0x1B8E;
	s24 =	sld [smem:$0x3FFE];
	[sflag:s23] =	ssyncadd.s32 $0xFFFFFFFF  }
0xab: {  	s26 =	simm.s32 $execute0_lowered;
	[smem:$0x3FD2] =	sst s25  }
0xac: {  	s5 =	sshll.u32 s26, $0x1;
	_ =	strace $0x80000049;
	[dreg:$0x1] =	wrdreg $0xFFFFFFFF  }
0xad: {  	s28 =	simm.s32 $_size_execute0_lowered;
	s3 =	sadd.s32 s3, s5;
	[dreg:$0x0] =	wrdreg $0x0  }
0xae: {  	s5 =	sshll.u32 s28, $0x1;
	[dreg:$0x2] =	wrdreg s3  }
0xaf: {  	[dreg:$0x3] =	wrdreg s5  }
0xb0: {  	[dreg:$0x4] =	wrdreg $0xC0  }
0xb1: {  	_ =	task [dreg:s7], $0x5FFFF  }
0xb2: {  	[dreg:$0x1] =	wrdreg $0xFFFFFFFF  }
0xb3: {  	[dreg:$0x0] =	wrdreg $0x60  }
0xb4: {  	[dreg:$0x2] =	wrdreg s16  }
0xb5: {  	[dreg:$0x3] =	wrdreg s24  }
0xb6: {  	[dreg:$0x4] =	wrdreg $0x9  }
0xb7: {  	_ =	task.clear_ibuf [dreg:s7], $0x5FFFF;
	_ =	strace $0x90000049  }
0xb8: {  	s29 =	simm.s32 $0x9;
	_ =	strace $0x8000004B  }
0xb9: {  	_ =	swait.ge [sflag:s29], $0x1  }
0xba: {  	[sflag:s29] =	ssyncadd.s32 $0xFFFFFFFF  }
0xbb: {  	_ =	strace $0x9000004B  }
0xbc: {  	_ =	sfence  }
0xbd: {  	s30 =	sld [smem:$0x0];
	_ =	sdelay $0x2  }
0xbe: {  	s31 =	sshll.u32 s1, $0xD;
	s1 =	sshrl.u32 s1, $0x2  }
0xbf: {  	s3 =	sand.u32 $0x4000, s31;
	s1 =	sadd.s32 s1, s30  }
0xc0: {  	s0 =	sor.u32 s3, s0;
	s1 =	sshll.u32 s1, $0x11  }
0xc1: {  	s0 =	sor.u32 s1, s0  }
0xc2: {  	s0 =	sadd.s32 $0x8F2B, s0  }
0xc3: {  	[sflag:s0] =	ssyncadd.remote.s32 $0x1  }
0xc4: {  	_ =	sfence.sel $0xFFFF  }
0xc5: {  	[dreg:$0x0] =	wrdreg $0xFFFFFFFF;
	(pc) =	sbr.abs _section_cstart, $3  }
0xc6: {  	[dreg:$0x1] =	wrdreg $0xFFFFFFFF  }
0xc7: {  	_ =	task.clear_ibuf [dreg:s7], $0x2FFFF;
	_ =	strace $0x9FFFFFFF  }
0xc8: {  	(tm) =	ssettm $0x7FFFFFFF  }
0xc9: {  	_ =	shalt  }
tec
execute0_lowered:
.L_overlay_start_1:
0x0: {  	(tag) =	ssettag $0x1  }
0x1: {  	s0 =	srdreg.scid  }
0x2: {  	s9 =	stileid.u32;
	s1 =	rddreg [dreg:$0x0]  }
0x3: {  	s5 =	rddreg [dreg:$0x1];
	s2 =	simm.s32 $0x0;
	s13 =	simm.s32 $0x1  }
0x4: {  	s14 =	simm.s32 $0x2;
	s4 =	sand.u32 $0x1, s0;
	s28 =	sshll.u32 s9, $0x1  }
0x5: {  	s15 =	simm.s32 $0x0;
	s11 =	smul.u32 $0x27000, s9;
	s0 =	sor.u32 s4, s28  }
0x6: {  	[smem:$0x7FF] =	sst s2;
	p0 =	sne.s32 s9, $0x0;
	s3 =	smul.u32 $0x27, s0  }
0x7: {  	s9 =	simm.s32 $0x3;
	s8 =	ssub.s32 $0x2, s4;
	s6 =	smin.u32 s0, $0x2  }
0x8: {  	s12 =	smul.u32 $0x13800, s4;
	s0 =	rddreg [dreg:$0x2];
	s7 =	sadd.s32 s6, s3  }
0x9: {  	_ =	strace $0x8000004A;
	s29 =	sshrl.u32 s8, $0x1;
	s3 =	sshll.u32 s7, $0x4  }
0xa: {  	s8 =	ssub.s32 s8, s29;
	s31 =	sshll.u32 s6, $0xB;
	s10 =	sadd.s32 s3, s5  }
0xb: {  	s7 =	sshll.u32 s7, $0xB;
	s5 =	sadd.s32 $0x9C00, s5;
	s3 =	sadd.s32 $0x4C00, s10  }
0xc: {  	s4 =	sadd.s32 $0x4E70, s10;
	s7 =	sadd.s32 s5, s7;
	s30 =	sadd.s32 s11, s5  }
0xd: {  	s11 =	simm.s32 $0x1400;
	s5 =	sadd.s32 $0x13000, s7;
	s10 =	sadd.s32 s12, s30  }
0xe: {  	s6 =	sadd.s32 $0x13800, s7;
	s7 =	smax.u32 s8, $0x1;
	s12 =	simm.s32 $0x5400  }
0xf: {  	s8 =	sadd.s32 s31, s10;
	s10 =	simm.s32 $0x80;
	s6 =	smov.u32 @p0 s5  }
.LBB2_1:
0x10: {  	[tilespmem:s2], [sflag:$0x3] =	stream.linear.gather [hbm4b:s3+s2], $0x1380, $0x38;
	[tilespmem:$0x9400] =	vst v63  }
0x11: {  	_ =	swait.ge [sflag:s9], $0x1380  }
0x12: {  	[sflag:s9] =	ssyncset.done $0x0  }
0x13: {  	s16 =	simm.s32 @!p0 $0x0;
	s17 =	simm.s32 @!p0 $0x1380;
	[sflag:s9] =	ssyncadd.s32 $0xFFFFEC80  }
0x14: {  	[tilespmem:s17], [sflag:$0x3] =	stream.linear.gather @!p0 [hbm4b:s4+s16], $0x80, $0x38;
	[tilespmem:$0x9400] =	vst v63  }
0x15: {  	s16 =	simm.s32 @!p0 $0x3  }
0x16: {  	_ =	swait.ge @!p0 [sflag:s16], $0x80  }
0x17: {  	[sflag:s16] =	ssyncset.done @!p0 $0x0  }
0x18: {  	[sflag:s16] =	ssyncadd.s32 @!p0 $0xFFFFFF80  }
0x19: {  	[tilespmem:s11], [sflag:$0x1] =	stream.indirect.gather [hbm4b:s1+s10], $0x80, s2, s10, $0xb8;
	[tilespmem:$0x9400] =	vst v63  }
0x1a: {  	s29 =	simm.s32 $0x80  }
0x1b: {  	[tilespmem:s12], [sflag:$0x2] =	stream.indirect.gather [hbm4b:s1+s10], $0x80, s29, s10, $0xb8;
	[tilespmem:$0x9400] =	vst v63  }
0x1c: {  	_ =	swait.ge [sflag:s13], $0x4000  }
0x1d: {  	[sflag:s13] =	ssyncset.done $0x0  }
0x1e: {  	s30 =	sadd.s32 $0x0, s8;
	[sflag:s13] =	ssyncadd.s32 $0xFFFFC000  }
0x1f: {  	[hbm4b:s30+s2] =	stream.linear.scatter [tilespmem:s11], [sflag:$0x3], $0x4000, $0x38;
	[tilespmem:$0x9400] =	vst v63  }
0x20: {  	_ =	swait.ge [sflag:s9], $0x4000  }
0x21: {  	[sflag:s9] =	ssyncset.done $0x0  }
0x22: {  	s31 =	simm.s32 $0x100;
	[sflag:s9] =	ssyncadd.s32 $0xFFFFC000  }
0x23: {  	[tilespmem:s11], [sflag:$0x1] =	stream.indirect.gather [hbm4b:s1+s10], $0x80, s31, s10, $0xb8;
	[tilespmem:$0x9400] =	vst v63  }
0x24: {  	_ =	swait.ge [sflag:s14], $0x4000  }
0x25: {  	[sflag:s14] =	ssyncset.done $0x0  }
0x26: {  	s16 =	sadd.s32 $0x800, s30;
	[sflag:s14] =	ssyncadd.s32 $0xFFFFC000  }
0x27: {  	[hbm4b:s16+s2] =	stream.linear.scatter [tilespmem:s12], [sflag:$0x3], $0x4000, $0x38;
	[tilespmem:$0x9400] =	vst v63  }
0x28: {  	s18 =	simm.s32 $0x2000;
	_ =	swait.ge [sflag:s9], $0x4000  }
0x29: {  	s17 =	simm.s32 $0x1000;
	s16 =	simm.s32 $0x200;
	[sflag:s9] =	ssyncset.done $0x0  }
.LBB2_2:
0x2a: {  	p1 =	sne.s32 s18, $0x12000;
	s19 =	sadd.s32 $0xFFFFFF80, s16;
	[sflag:s9] =	ssyncadd.s32 $0xFFFFC000  }
0x2b: {  	[tilespmem:s12], [sflag:$0x2] =	stream.indirect.gather [hbm4b:s1+s10], $0x80, s19, s10, $0xb8;
	[tilespmem:$0x9400] =	vst v63  }
0x2c: {  	s19 =	smov.u32 s18;
	s18 =	sadd.s32 $0x1000, s18;
	_ =	swait.ge [sflag:s13], $0x4000  }
0x2d: {  	[sflag:s13] =	ssyncset.done $0x0  }
0x2e: {  	s20 =	sadd.s32 s17, s8;
	s17 =	smov.u32 s19;
	[sflag:s13] =	ssyncadd.s32 $0xFFFFC000  }
0x2f: {  	[hbm4b:s20+s2] =	stream.linear.scatter [tilespmem:s11], [sflag:$0x3], $0x4000, $0x38;
	[tilespmem:$0x9400] =	vst v63  }
0x30: {  	_ =	swait.ge [sflag:s9], $0x4000  }
0x31: {  	[sflag:s9] =	ssyncset.done $0x0  }
0x32: {  	[sflag:s9] =	ssyncadd.s32 $0xFFFFC000  }
0x33: {  	[tilespmem:s11], [sflag:$0x1] =	stream.indirect.gather [hbm4b:s1+s10], $0x80, s16, s10, $0xb8;
	[tilespmem:$0x9400] =	vst v63  }
0x34: {  	_ =	swait.ge [sflag:s14], $0x4000  }
.Ltmp0:
0x35: {  	[sflag:s14] =	ssyncset.done $0x0;
	(pc) =	sbr.rel @p1 .LBB2_2-.Ltmp0, $4  }
0x36: {  	s19 =	sadd.s32 $0x800, s20;
	[sflag:s14] =	ssyncadd.s32 $0xFFFFC000  }
0x37: {  	[hbm4b:s19+s2] =	stream.linear.scatter [tilespmem:s12], [sflag:$0x3], $0x4000, $0x38;
	[tilespmem:$0x9400] =	vst v63  }
0x38: {  	_ =	swait.ge [sflag:s9], $0x4000  }
0x39: {  	s16 =	sadd.s32 $0x100, s16;
	[sflag:s9] =	ssyncset.done $0x0  }
0x3a: {  	s18 =	sadd.s32 $0xFFFFFF80, s16;
	[sflag:s9] =	ssyncadd.s32 $0xFFFFC000  }
0x3b: {  	[tilespmem:s12], [sflag:$0x2] =	stream.indirect.gather [hbm4b:s1+s10], $0x80, s18, s10, $0xb8;
	[tilespmem:$0x9400] =	vst v63  }
0x3c: {  	_ =	swait.ge [sflag:s13], $0x4000  }
0x3d: {  	[sflag:s13] =	ssyncset.done $0x0  }
0x3e: {  	s17 =	sadd.s32 s17, s8;
	[sflag:s13] =	ssyncadd.s32 $0xFFFFC000  }
0x3f: {  	[hbm4b:s17+s2] =	stream.linear.scatter [tilespmem:s11], [sflag:$0x3], $0x4000, $0x38;
	[tilespmem:$0x9400] =	vst v63  }
0x40: {  	_ =	swait.ge [sflag:s9], $0x4000  }
0x41: {  	[sflag:s9] =	ssyncset.done $0x0  }
0x42: {  	[sflag:s9] =	ssyncadd.s32 $0xFFFFC000  }
0x43: {  	[tilespmem:s11], [sflag:$0x1] =	stream.indirect.gather [hbm4b:s1+s10], $0x80, s16, s10, $0xb8;
	[tilespmem:$0x9400] =	vst v63  }
0x44: {  	_ =	swait.ge [sflag:s14], $0x4000  }
0x45: {  	[sflag:s14] =	ssyncset.done $0x0  }
0x46: {  	s31 =	sadd.s32 $0x800, s17;
	[sflag:s14] =	ssyncadd.s32 $0xFFFFC000  }
0x47: {  	[hbm4b:s31+s2] =	stream.linear.scatter [tilespmem:s12], [sflag:$0x3], $0x4000, $0x38;
	[tilespmem:$0x9400] =	vst v63  }
0x48: {  	_ =	swait.ge [sflag:s9], $0x4000  }
0x49: {  	s18 =	simm.s32 @!p0 $0x5400;
	[sflag:s9] =	ssyncset.done $0x0  }
0x4a: {  	s17 =	simm.s32 @!p0 $0x1380;
	s16 =	simm.s32 @!p0 $0x80;
	[sflag:s9] =	ssyncadd.s32 $0xFFFFC000  }
0x4b: {  	[tilespmem:s18], [sflag:$0x2] =	stream.indirect.gather @!p0 [hbm4b:s1+s16], $0x80, s17, s16, $0xb8;
	[tilespmem:$0x9400] =	vst v63  }
0x4c: {  	s16 =	simm.s32 @!p0 $0x1  }
0x4d: {  	_ =	swait.ge @!p0 [sflag:s16], $0x4000  }
0x4e: {  	[sflag:s16] =	ssyncset.done @!p0 $0x0  }
0x4f: {  	s17 =	simm.s32 @!p0 $0x1400;
	[sflag:s16] =	ssyncadd.s32 @!p0 $0xFFFFC000;
	s16 =	simm.s32 @!p0 $0x0  }
0x50: {  	[hbm4b:s5+s16] =	stream.linear.scatter @!p0 [tilespmem:s17], [sflag:$0x3], $0x4000, $0x38;
	[tilespmem:$0x9400] =	vst v63  }
0x51: {  	s16 =	simm.s32 @!p0 $0x3  }
0x52: {  	_ =	swait.ge @!p0 [sflag:s16], $0x4000  }
0x53: {  	s17 =	simm.s32 @!p0 $0x2;
	[sflag:s16] =	ssyncset.done @!p0 $0x0  }
0x54: {  	s17 =	simm.s32 @p0 $0x1;
	[sflag:s16] =	ssyncadd.s32 @!p0 $0xFFFFC000  }
0x55: {  	s15 =	sadd.s32 $0x1, s15;
	_ =	swait.ge [sflag:s17], $0x4000  }
0x56: {  	p1 =	sne.s32 s15, s7;
	[sflag:s17] =	ssyncset.done $0x0  }
.Ltmp1:
0x57: {  	s18 =	simm.s32 @p0 $0x1400;
	[sflag:s17] =	ssyncadd.s32 $0xFFFFC000;
	(pc) =	sbr.rel @p1 .LBB2_1-.Ltmp1, $4  }
0x58: {  	[hbm4b:s6+s2] =	stream.linear.scatter [tilespmem:s18], [sflag:$0x3], $0x4000, $0x38;
	[tilespmem:$0x9400] =	vst v63  }
0x59: {  	_ =	swait.ge [sflag:s9], $0x4000  }
0x5a: {  	[sflag:s9] =	ssyncset.done $0x0  }
0x5b: {  	[sflag:s9] =	ssyncadd.s32 $0xFFFFC000  }
0x5c: {  	_ =	sfence.sel $0x180000  }
0x5d: {  	[bflag:$0x0] =	sbarrier.arrive $0xFFFF  }
0x5e: {  	_ =	strace $0x9000004A  }
0x5f: {  	s0 =	sadd.s32 @!p0 $0x100000, s0;
	[bflag:$0x2] =	sbarrier.arrive $0xFFFF  }
0x60: {  	[sflag:s0] =	ssyncadd.tile.s32 @!p0 $0x1;
	_ =	shalt  }
.Lfunc_end2:
_tile_overlayer_lowered:
.L_overlay_start_2:
0x61: {  	(tag) =	ssettag $0x2  }
0x62: {  	s0 =	rddreg [dreg:$0x0];
	s2 =	stileid.u32  }
0x63: {  	s1 =	rddreg [dreg:$0x1];
	p0 =	sne.s32 s2, $0x0  }
0x64: {  	s3 =	rddreg [dreg:$0x2];
	[bflag:$0x3] =	sbarrier.arrive $0xFFFF;
	s2 =	simm.s32 @!p0 $0x1C03  }
0x65: {  	[timem:s3], [sflag:s2] =	dma.local @!p0 [hbm:s0], s1  }
0x66: {  	s0 =	simm.s32 @!p0 $0x3  }
0x67: {  	_ =	swait.ge @!p0 [sflag:s0], s1  }
0x68: {  	s1 =	ssub.s32 @!p0 $0x0, s1;
	[sflag:s0] =	ssyncset.done @!p0 $0x0  }
0x69: {  	[sflag:s0] =	ssyncadd.s32 @!p0 s1  }
0x6a: {  	[bflag:$0x3] =	sbarrier.arrive $0xFFFF  }
0x6b: {  	_ =	shalt  }

// kernel: kernel.8.cloned.1.call-start
scs
__scs_entry_jumppad:
0x0: {  	(pc) =	sbr.rel $0x88, $3  }
0x1: {  	(tag) =	ssettag $0x0;
	lr =	simm.s32 $0x1  }
0x2: {  	[smem:$0x3F7E] =	sst lr;
	_ =	strace $0xD0000000  }
0x3: {  	_ = 	snop  }
0x4: {  	_ = 	snop  }
0x5: {  	_ = 	snop  }
0x6: {  	_ = 	snop  }
0x7: {  	_ = 	snop  }
__scs_overlays_trampoline_lowered:
0x8: {  	[smem:$0x3F8D] =	sst s0  }
0x9: {  	[smem:$0x3F8E] =	sst s1  }
0xa: {  	[smem:$0x3F8F] =	sst s2  }
0xb: {  	[smem:$0x3F90] =	sst s3  }
0xc: {  	[smem:$0x3F91] =	sst s4  }
0xd: {  	[smem:$0x3F92] =	sst s5  }
0xe: {  	[smem:$0x3F93] =	sst s6  }
0xf: {  	[smem:$0x3F94] =	sst s7  }
0x10: {  	[smem:$0x3F95] =	sst s8  }
0x11: {  	[smem:$0x3F96] =	sst s9;
	s0 =	simm.s32 @!p0 $0x0  }
0x12: {  	s1 =	sld [smem:$0x3F7C];
	s0 =	simm.s32 @p0 $0x1  }
0x13: {  	[smem:$0x3F97] =	sst s0;
	s0 =	simm.s32 @!p1 $0x0  }
0x14: {  	s2 =	sld [smem:$0x3F7B];
	s0 =	simm.s32 @p1 $0x1  }
0x15: {  	[smem:$0x3F98] =	sst s0;
	s0 =	simm.s32 @!p2 $0x0  }
0x16: {  	s3 =	sld [smem:$0x3FDB];
	s0 =	simm.s32 @p2 $0x1  }
0x17: {  	s4 =	simm.s32 $0x1BF5;
	[smem:$0x3F9A] =	sst s0  }
0x18: {  	s0 =	sld [smem:$0x3F7D];
	_ =	swait.ge [sflag:s4], $0x0  }
0x19: {  	s7 =	sld [smem:$0x3F7E]  }
0x1a: {  	s8 =	sadd.s32 $0xFFFFE003, lr  }
0x1b: {  	s9 =	sadd.s32 $0xFFFFFEF7, lr;
	s5 =	simm.s32 $0xFFFFFFFF;
	p2 =	slt.u32 s8, $0xFFFFF086  }
0x1c: {  	p1 =	slt.u32 s9, $0xF7A;
	s5 =	simm.s32 @!p2 $0x0  }
0x1d: {  	s5 =	simm.s32 @p1 $0x1;
	p0 =	seq.s32 s7, s2  }
0x1e: {  	s7 =	smul.u32 @!p0 $0xF7A, s2;
	p2 =	seq.s32 @!p0 s5, $0x0  }
0x1f: {  	s9 =	smul.u32 $0xF7A, s1;
	s8 =	simm.s32 @!p0 $0x1BF5;
	p2 =	por !p2, p0  }
0x20: {  	[sflag:s8] =	ssyncset.s32 @!p0 $0xFFFFF086;
	s6 =	sadd.s32 @!p0 s3, s7;
	s7 =	simm.s32 @!p0 $0x108  }
0x21: {  	s3 =	sadd.s32 s3, s9;
	s6 =	sadd.s32 @!p0 $0x88, s6;
	s7 =	simm.s32 @p2 $0x1082  }
0x22: {  	[simem:s7], [sflag:s8] =	dma.local @!p0 [hbm:s6], $0xF7A  }
0x23: {  	s9 =	sor.u32 $0xD0000000, s2;
	s6 =	simm.s32 $0x108;
	_ =	swait.ge @!p0 [sflag:s8], $0x0  }
0x24: {  	s3 =	sadd.s32 $0x88, s3;
	s6 =	simm.s32 @!p1 $0x1082;
	[sflag:s4] =	ssyncset.s32 $0xFFFFF086  }
0x25: {  	[simem:s6], [sflag:s4] =	dma.local [hbm:s3], $0xF7A  }
0x26: {  	[smem:$0x3F7E] =	sst s1;
	(tag) =	ssettag s2;
	_ =	strace s9  }
0x27: {  	s1 =	sld [smem:$0x3F8E]  }
0x28: {  	s2 =	sld [smem:$0x3F8F]  }
0x29: {  	s4 =	sld [smem:$0x3F91]  }
0x2a: {  	p0 =	seq.s32 s5, $0x0;
	s5 =	sld [smem:$0x3F92]  }
0x2b: {  	s6 =	sld [smem:$0x3F93]  }
0x2c: {  	s7 =	sld [smem:$0x3F94]  }
0x2d: {  	s3 =	simm.s32 $0x108;
	s8 =	sld [smem:$0x3F95]  }
0x2e: {  	s3 =	simm.s32 @!p0 $0x1082;
	s9 =	sld [smem:$0x3F96]  }
0x2f: {  	lr =	sadd.s32 s0, s3;
	s0 =	sld [smem:$0x3F8D]  }
0x30: {  	s3 =	sld [smem:$0x3F90]  }
0x31: {  	[smem:$0x3F99] =	sst s10  }
0x32: {  	s10 =	sld [smem:$0x3F97];
	_ =	sdelay $0x3  }
0x33: {  	p0 =	seq.s32 s10, $0x1;
	s10 =	sld [smem:$0x3F99];
	_ =	sdelay $0x3  }
0x34: {  	[smem:$0x3F99] =	sst s10  }
0x35: {  	s10 =	sld [smem:$0x3F98];
	_ =	sdelay $0x3  }
0x36: {  	p1 =	seq.s32 s10, $0x1;
	s10 =	sld [smem:$0x3F99];
	_ =	sdelay $0x3  }
0x37: {  	[smem:$0x3F99] =	sst s10  }
0x38: {  	s10 =	sld [smem:$0x3F9A]  }
0x39: {  	_ = 	snop;
	(pc) =	sbr.ind lr, $3  }
0x3a: {  	_ = 	snop  }
0x3b: {  	_ = 	snop  }
0x3c: {  	p2 =	seq.s32 s10, $0x1;
	s10 =	sld [smem:$0x3F99]  }
0x3d: {  	_ =	shalt  }
0x3e: {  	_ =	shalt  }
0x3f: {  	_ =	shalt  }
0x40: {  	_ =	shalt  }
0x41: {  	_ =	shalt  }
0x42: {  	_ =	shalt  }
0x43: {  	_ =	shalt  }
0x44: {  	_ =	shalt  }
0x45: {  	_ =	shalt  }
0x46: {  	_ =	shalt  }
0x47: {  	_ =	shalt  }
0x48: {  	_ =	shalt  }
0x49: {  	_ =	shalt  }
0x4a: {  	_ =	shalt  }
0x4b: {  	_ =	shalt  }
0x4c: {  	_ =	shalt  }
0x4d: {  	_ =	shalt  }
0x4e: {  	_ =	shalt  }
0x4f: {  	_ =	shalt  }
0x50: {  	_ =	shalt  }
0x51: {  	_ =	shalt  }
0x52: {  	_ =	shalt  }
0x53: {  	_ =	shalt  }
0x54: {  	_ =	shalt  }
0x55: {  	_ =	shalt  }
0x56: {  	_ =	shalt  }
0x57: {  	_ =	shalt  }
0x58: {  	_ =	shalt  }
0x59: {  	_ =	shalt  }
0x5a: {  	_ =	shalt  }
0x5b: {  	_ =	shalt  }
0x5c: {  	_ =	shalt  }
0x5d: {  	_ =	shalt  }
0x5e: {  	_ =	shalt  }
0x5f: {  	_ =	shalt  }
0x60: {  	_ =	shalt  }
0x61: {  	_ =	shalt  }
0x62: {  	_ =	shalt  }
0x63: {  	_ =	shalt  }
0x64: {  	_ =	shalt  }
0x65: {  	_ =	shalt  }
0x66: {  	_ =	shalt  }
0x67: {  	_ =	shalt  }
0x68: {  	_ =	shalt  }
0x69: {  	_ =	shalt  }
0x6a: {  	_ =	shalt  }
0x6b: {  	_ =	shalt  }
0x6c: {  	_ =	shalt  }
0x6d: {  	_ =	shalt  }
0x6e: {  	_ =	shalt  }
0x6f: {  	_ =	shalt  }
0x70: {  	_ =	shalt  }
0x71: {  	_ =	shalt  }
0x72: {  	_ =	shalt  }
0x73: {  	_ =	shalt  }
0x74: {  	_ =	shalt  }
0x75: {  	_ =	shalt  }
0x76: {  	_ =	shalt  }
0x77: {  	_ =	shalt  }
0x78: {  	_ =	shalt  }
0x79: {  	_ =	shalt  }
0x7a: {  	_ =	shalt  }
0x7b: {  	_ =	shalt  }
0x7c: {  	_ =	shalt  }
0x7d: {  	_ =	shalt  }
0x7e: {  	_ =	shalt  }
0x7f: {  	_ =	shalt  }
0x80: {  	_ =	shalt  }
0x81: {  	_ =	shalt  }
0x82: {  	_ =	shalt  }
0x83: {  	_ =	shalt  }
0x84: {  	_ =	shalt  }
0x85: {  	_ =	shalt  }
0x86: {  	_ =	shalt  }
0x87: {  	_ =	shalt  }
.Lfunc_end0:
.L_simem_size_0:
called_computation_lowered:
.L_overlay_start_0:
0x88: {  	s2 =	sld [smem:$0x3FD9]  }
0x89: {  	s3 =	sld [smem:$0x3FFE];
	_ =	sdelay $0x1  }
0x8a: {  	s1 =	srdreg.scid  }
0x8b: {  	s0 =	sand.u32 $0x1, s1  }
0x8c: {  	s14 =	sshll.u32 s0, $0xA;
	s2 =	sadd.s32 s3, s2  }
0x8d: {  	s2 =	sadd.s32 s2, s14  }
0x8e: {  	[smem:$0x3FA5] =	sst s2  }
0x8f: {  	_ = 	snop  }
0x90: {  	s2 =	sld [smem:$0x3FD0];
	_ =	sdelay $0x2  }
0x91: {  	s15 =	simm.s32 $0xA;
	s4 =	simm.s32 $0x10  }
0x92: {  	[smem:s4], [sflag:s15] =	dma.local [hbm:s2], $0x1  }
0x93: {  	_ =	swait.eq [sflag:s15], $0x1  }
0x94: {  	[sflag:s15] =	ssyncset.done $0x0  }
0x95: {  	[sflag:s15] =	ssyncadd.s32 $0xFFFFFFFF  }
0x96: {  	s16 =	sld [smem:$0x11];
	(tm) =	ssettm $0x1  }
0x97: {  	s17 =	sld [smem:$0x3FFB];
	_ =	sdelay $0x3  }
0x98: {  	_ =	strace s17  }
0x99: {  	s3 =	sld [smem:$0x3FFC];
	_ =	sdelay $0x3  }
0x9a: {  	_ =	strace s3  }
0x9b: {  	s3 =	sld [smem:$0x3FFD];
	_ =	sdelay $0x3  }
0x9c: {  	_ =	strace s3  }
0x9d: {  	_ =	strace $0x8FFFFFFF  }
0x9e: {  	s18 =	sld [smem:$0x3FDB];
	_ =	sdelay $0x1  }
0x9f: {  	s19 =	simm.s32 $_scs_section_size  }
0xa0: {  	s5 =	simm.s32 $_size__tile_overlayer_lowered;
	s6 =	simm.s32 $_tile_overlayer_lowered  }
0xa1: {  	s22 =	simm.s32 $0x1BFF;
	s21 =	sshll.u32 s6, $0x1;
	s3 =	sadd.s32 s19, s18  }
0xa2: {  	s7 =	simm.s32 $0x0;
	s20 =	sshll.u32 s5, $0x1;
	s5 =	sadd.s32 s21, s3  }
0xa3: {  	[timem:s7], [sflag:s22] =	dma.local [hbm:s5], s20  }
0xa4: {  	_ =	swait.ge [sflag:s22], s20  }
0xa5: {  	s4 =	ssub.s32 $0x0, s20;
	[sflag:s22] =	ssyncset.done $0x0  }
0xa6: {  	[sflag:s22] =	ssyncadd.s32 s4;
	_ =	sdelay $0x1  }
0xa7: {  	s23 =	simm.s32 $0x1B8B  }
0xa8: {  	_ =	swait.ge [sflag:s23], $0x1  }
0xa9: {  	[sflag:s23] =	ssyncset.done $0x0  }
0xaa: {  	s25 =	simm.s32 $0x1B8E;
	s24 =	sld [smem:$0x3FFE];
	[sflag:s23] =	ssyncadd.s32 $0xFFFFFFFF  }
0xab: {  	s26 =	simm.s32 $execute0_lowered;
	[smem:$0x3FD2] =	sst s25  }
0xac: {  	s5 =	sshll.u32 s26, $0x1;
	_ =	strace $0x80000046;
	[dreg:$0x1] =	wrdreg $0xFFFFFFFF  }
0xad: {  	s28 =	simm.s32 $_size_execute0_lowered;
	s3 =	sadd.s32 s3, s5;
	[dreg:$0x0] =	wrdreg $0x0  }
0xae: {  	s5 =	sshll.u32 s28, $0x1;
	[dreg:$0x2] =	wrdreg s3  }
0xaf: {  	[dreg:$0x3] =	wrdreg s5  }
0xb0: {  	[dreg:$0x4] =	wrdreg $0xC0  }
0xb1: {  	_ =	task [dreg:s7], $0x5FFFF  }
0xb2: {  	[dreg:$0x1] =	wrdreg $0xFFFFFFFF  }
0xb3: {  	[dreg:$0x0] =	wrdreg $0x60  }
0xb4: {  	[dreg:$0x2] =	wrdreg s16  }
0xb5: {  	[dreg:$0x3] =	wrdreg s24  }
0xb6: {  	[dreg:$0x4] =	wrdreg $0x9  }
0xb7: {  	_ =	task.clear_ibuf [dreg:s7], $0x5FFFF;
	_ =	strace $0x90000046  }
0xb8: {  	s29 =	simm.s32 $0x9;
	_ =	strace $0x80000048  }
0xb9: {  	_ =	swait.ge [sflag:s29], $0x1  }
0xba: {  	[sflag:s29] =	ssyncadd.s32 $0xFFFFFFFF  }
0xbb: {  	_ =	strace $0x90000048  }
0xbc: {  	_ =	sfence  }
0xbd: {  	s30 =	sld [smem:$0x0];
	_ =	sdelay $0x2  }
0xbe: {  	s31 =	sshll.u32 s1, $0xD;
	s1 =	sshrl.u32 s1, $0x2  }
0xbf: {  	s3 =	sand.u32 $0x4000, s31;
	s1 =	sadd.s32 s1, s30  }
0xc0: {  	s0 =	sor.u32 s3, s0;
	s1 =	sshll.u32 s1, $0x11  }
0xc1: {  	s0 =	sor.u32 s1, s0  }
0xc2: {  	s0 =	sadd.s32 $0x8F2B, s0  }
0xc3: {  	[sflag:s0] =	ssyncadd.remote.s32 $0x1  }
0xc4: {  	_ =	sfence.sel $0xFFFF  }
0xc5: {  	[dreg:$0x0] =	wrdreg $0xFFFFFFFF;
	(pc) =	sbr.abs _section_cstart, $3  }
0xc6: {  	[dreg:$0x1] =	wrdreg $0xFFFFFFFF  }
0xc7: {  	_ =	task.clear_ibuf [dreg:s7], $0x2FFFF;
	_ =	strace $0x9FFFFFFF  }
0xc8: {  	(tm) =	ssettm $0x7FFFFFFF  }
0xc9: {  	_ =	shalt  }
tec
execute0_lowered:
.L_overlay_start_1:
0x0: {  	(tag) =	ssettag $0x1  }
0x1: {  	s0 =	srdreg.scid;
	s1 =	rddreg [dreg:$0x0]  }
0x2: {  	s10 =	stileid.u32;
	s3 =	rddreg [dreg:$0x1];
	s2 =	simm.s32 $0x0  }
0x3: {  	s15 =	simm.s32 $0x2;
	s16 =	simm.s32 $0x0;
	s6 =	sand.u32 $0x1, s0  }
0x4: {  	s25 =	sshll.u32 s10, $0x1;
	s0 =	rddreg [dreg:$0x2];
	s9 =	smul.u32 $0x4E, s10  }
0x5: {  	[smem:$0x7FF] =	sst s2;
	s13 =	sadd.s32 $0x9C00, s3;
	s29 =	smul.u32 $0x4E00, s10  }
0x6: {  	p0 =	sne.s32 s10, $0x0;
	s10 =	simm.s32 $0x3;
	s12 =	smul.u32 $0x27, s6  }
0x7: {  	s4 =	sor.u32 s6, s25;
	s8 =	ssub.s32 $0x2, s6;
	s14 =	smul.u32 $0x2700, s6  }
0x8: {  	_ =	strace $0x80000047;
	s5 =	smul.u32 $0x27, s4;
	s11 =	sshrl.u32 s8, $0x1  }
0x9: {  	s7 =	smin.u32 s4, $0x2;
	s30 =	sadd.s32 s29, s13;
	s8 =	ssub.s32 s8, s11  }
0xa: {  	s9 =	sadd.s32 s12, s9;
	s11 =	sadd.s32 s14, s30;
	s31 =	sshll.u32 s7, $0x8  }
0xb: {  	s12 =	simm.s32 $0x1400;
	s14 =	simm.s32 $0x1;
	s5 =	sadd.s32 s7, s5  }
0xc: {  	s9 =	sadd.s32 s7, s9;
	s7 =	smax.u32 s8, $0x1;
	s8 =	sadd.s32 s31, s11  }
0xd: {  	s11 =	simm.s32 $0x80;
	s26 =	sshll.u32 s5, $0x4;
	s5 =	sshll.u32 s5, $0x8  }
0xe: {  	s9 =	sshll.u32 s9, $0x8;
	s4 =	sadd.s32 s26, s3;
	s28 =	sadd.s32 s13, s5  }
0xf: {  	s9 =	sadd.s32 $0x100, s9;
	s3 =	sadd.s32 $0x4C00, s4;
	s4 =	sadd.s32 $0x4E70, s4  }
0x10: {  	s5 =	sadd.s32 $0x2600, s28;
	s6 =	sadd.s32 $0x2700, s28;
	s9 =	sand.u32 $0x1FFF00, s9  }
0x11: {  	s9 =	sadd.s32 s9, s13;
	s13 =	simm.s32 $0x1C00;
	s6 =	smov.u32 @p0 s5  }
.LBB2_1:
0x12: {  	[tilespmem:s2], [sflag:$0x3] =	stream.linear.gather [hbm4b:s3+s2], $0x1380, $0x38;
	[tilespmem:$0x2400] =	vst v63  }
0x13: {  	_ =	swait.ge [sflag:s10], $0x1380  }
0x14: {  	[sflag:s10] =	ssyncset.done $0x0  }
0x15: {  	s17 =	simm.s32 @!p0 $0x0;
	s18 =	simm.s32 @!p0 $0x1380;
	[sflag:s10] =	ssyncadd.s32 $0xFFFFEC80  }
0x16: {  	[tilespmem:s18], [sflag:$0x3] =	stream.linear.gather @!p0 [hbm4b:s4+s17], $0x80, $0x38;
	[tilespmem:$0x2400] =	vst v63  }
0x17: {  	s17 =	simm.s32 @!p0 $0x3  }
0x18: {  	_ =	swait.ge @!p0 [sflag:s17], $0x80  }
0x19: {  	[sflag:s17] =	ssyncset.done @!p0 $0x0  }
0x1a: {  	[sflag:s17] =	ssyncadd.s32 @!p0 $0xFFFFFF80  }
0x1b: {  	[tilespmem:s12], [sflag:$0x1] =	stream.indirect.gather [hbm4b:s1+s11], $0x10, s2, s11, $0xb8;
	[tilespmem:$0x2400] =	vst v63  }
0x1c: {  	s28 =	simm.s32 $0x80  }
0x1d: {  	[tilespmem:s13], [sflag:$0x2] =	stream.indirect.gather [hbm4b:s1+s11], $0x10, s28, s11, $0xb8;
	[tilespmem:$0x2400] =	vst v63  }
0x1e: {  	_ =	swait.ge [sflag:s14], $0x800  }
0x1f: {  	[sflag:s14] =	ssyncset.done $0x0  }
0x20: {  	s29 =	sadd.s32 $0x0, s8;
	[sflag:s14] =	ssyncadd.s32 $0xFFFFF800  }
0x21: {  	[hbm4b:s29+s2] =	stream.linear.scatter [tilespmem:s12], [sflag:$0x3], $0x800, $0x38;
	[tilespmem:$0x2400] =	vst v63  }
0x22: {  	_ =	swait.ge [sflag:s10], $0x800  }
0x23: {  	[sflag:s10] =	ssyncset.done $0x0  }
0x24: {  	s30 =	simm.s32 $0x100;
	[sflag:s10] =	ssyncadd.s32 $0xFFFFF800  }
0x25: {  	[tilespmem:s12], [sflag:$0x1] =	stream.indirect.gather [hbm4b:s1+s11], $0x10, s30, s11, $0xb8;
	[tilespmem:$0x2400] =	vst v63  }
0x26: {  	_ =	swait.ge [sflag:s15], $0x800  }
0x27: {  	[sflag:s15] =	ssyncset.done $0x0  }
0x28: {  	s31 =	sadd.s32 $0x0, s9;
	[sflag:s15] =	ssyncadd.s32 $0xFFFFF800  }
0x29: {  	[hbm4b:s31+s2] =	stream.linear.scatter [tilespmem:s13], [sflag:$0x3], $0x800, $0x38;
	[tilespmem:$0x2400] =	vst v63  }
0x2a: {  	s19 =	simm.s32 $0x400;
	_ =	swait.ge [sflag:s10], $0x800  }
0x2b: {  	s18 =	simm.s32 $0x200;
	s17 =	simm.s32 $0x200;
	[sflag:s10] =	ssyncset.done $0x0  }
.LBB2_2:
0x2c: {  	p1 =	sne.s32 s19, $0x2400;
	s20 =	sadd.s32 $0xFFFFFF80, s18;
	[sflag:s10] =	ssyncadd.s32 $0xFFFFF800  }
0x2d: {  	[tilespmem:s13], [sflag:$0x2] =	stream.indirect.gather [hbm4b:s1+s11], $0x10, s20, s11, $0xb8;
	[tilespmem:$0x2400] =	vst v63  }
0x2e: {  	s20 =	smov.u32 s19;
	s19 =	sadd.s32 $0x200, s19;
	_ =	swait.ge [sflag:s14], $0x800  }
0x2f: {  	[sflag:s14] =	ssyncset.done $0x0  }
0x30: {  	s21 =	sadd.s32 s17, s8;
	[sflag:s14] =	ssyncadd.s32 $0xFFFFF800  }
0x31: {  	[hbm4b:s21+s2] =	stream.linear.scatter [tilespmem:s12], [sflag:$0x3], $0x800, $0x38;
	[tilespmem:$0x2400] =	vst v63  }
0x32: {  	_ =	swait.ge [sflag:s10], $0x800  }
0x33: {  	[sflag:s10] =	ssyncset.done $0x0  }
0x34: {  	[sflag:s10] =	ssyncadd.s32 $0xFFFFF800  }
0x35: {  	[tilespmem:s12], [sflag:$0x1] =	stream.indirect.gather [hbm4b:s1+s11], $0x10, s18, s11, $0xb8;
	[tilespmem:$0x2400] =	vst v63  }
0x36: {  	_ =	swait.ge [sflag:s15], $0x800  }
.Ltmp0:
0x37: {  	[sflag:s15] =	ssyncset.done $0x0;
	(pc) =	sbr.rel @p1 .LBB2_2-.Ltmp0, $4  }
0x38: {  	s21 =	sadd.s32 s17, s9;
	s17 =	smov.u32 s20;
	[sflag:s15] =	ssyncadd.s32 $0xFFFFF800  }
0x39: {  	[hbm4b:s21+s2] =	stream.linear.scatter [tilespmem:s13], [sflag:$0x3], $0x800, $0x38;
	[tilespmem:$0x2400] =	vst v63  }
0x3a: {  	_ =	swait.ge [sflag:s10], $0x800  }
0x3b: {  	s18 =	sadd.s32 $0x100, s18;
	[sflag:s10] =	ssyncset.done $0x0  }
0x3c: {  	s19 =	sadd.s32 $0xFFFFFF80, s18;
	[sflag:s10] =	ssyncadd.s32 $0xFFFFF800  }
0x3d: {  	[tilespmem:s13], [sflag:$0x2] =	stream.indirect.gather [hbm4b:s1+s11], $0x10, s19, s11, $0xb8;
	[tilespmem:$0x2400] =	vst v63  }
0x3e: {  	_ =	swait.ge [sflag:s14], $0x800  }
0x3f: {  	[sflag:s14] =	ssyncset.done $0x0  }
0x40: {  	s30 =	sadd.s32 s17, s8;
	[sflag:s14] =	ssyncadd.s32 $0xFFFFF800  }
0x41: {  	[hbm4b:s30+s2] =	stream.linear.scatter [tilespmem:s12], [sflag:$0x3], $0x800, $0x38;
	[tilespmem:$0x2400] =	vst v63  }
0x42: {  	_ =	swait.ge [sflag:s10], $0x800  }
0x43: {  	[sflag:s10] =	ssyncset.done $0x0  }
0x44: {  	[sflag:s10] =	ssyncadd.s32 $0xFFFFF800  }
0x45: {  	[tilespmem:s12], [sflag:$0x1] =	stream.indirect.gather [hbm4b:s1+s11], $0x10, s18, s11, $0xb8;
	[tilespmem:$0x2400] =	vst v63  }
0x46: {  	_ =	swait.ge [sflag:s15], $0x800  }
0x47: {  	[sflag:s15] =	ssyncset.done $0x0  }
0x48: {  	s31 =	sadd.s32 s17, s9;
	[sflag:s15] =	ssyncadd.s32 $0xFFFFF800  }
0x49: {  	[hbm4b:s31+s2] =	stream.linear.scatter [tilespmem:s13], [sflag:$0x3], $0x800, $0x38;
	[tilespmem:$0x2400] =	vst v63  }
0x4a: {  	_ =	swait.ge [sflag:s10], $0x800  }
0x4b: {  	s17 =	simm.s32 @!p0 $0x80;
	[sflag:s10] =	ssyncset.done $0x0  }
0x4c: {  	s19 =	simm.s32 @!p0 $0x1C00;
	s18 =	simm.s32 @!p0 $0x1380;
	[sflag:s10] =	ssyncadd.s32 $0xFFFFF800  }
0x4d: {  	[tilespmem:s19], [sflag:$0x2] =	stream.indirect.gather @!p0 [hbm4b:s1+s17], $0x10, s18, s17, $0xb8;
	[tilespmem:$0x2400] =	vst v63  }
0x4e: {  	s17 =	simm.s32 @!p0 $0x1  }
0x4f: {  	_ =	swait.ge @!p0 [sflag:s17], $0x800  }
0x50: {  	[sflag:s17] =	ssyncset.done @!p0 $0x0  }
0x51: {  	s18 =	simm.s32 @!p0 $0x1400;
	[sflag:s17] =	ssyncadd.s32 @!p0 $0xFFFFF800;
	s17 =	simm.s32 @!p0 $0x0  }
0x52: {  	[hbm4b:s5+s17] =	stream.linear.scatter @!p0 [tilespmem:s18], [sflag:$0x3], $0x800, $0x38;
	[tilespmem:$0x2400] =	vst v63  }
0x53: {  	s17 =	simm.s32 @!p0 $0x3  }
0x54: {  	_ =	swait.ge @!p0 [sflag:s17], $0x800  }
0x55: {  	s18 =	simm.s32 @!p0 $0x2;
	[sflag:s17] =	ssyncset.done @!p0 $0x0  }
0x56: {  	s18 =	simm.s32 @p0 $0x1;
	[sflag:s17] =	ssyncadd.s32 @!p0 $0xFFFFF800  }
0x57: {  	s16 =	sadd.s32 $0x1, s16;
	_ =	swait.ge [sflag:s18], $0x800  }
0x58: {  	p1 =	sne.s32 s16, s7;
	[sflag:s18] =	ssyncset.done $0x0  }
.Ltmp1:
0x59: {  	s19 =	simm.s32 @p0 $0x1400;
	[sflag:s18] =	ssyncadd.s32 $0xFFFFF800;
	(pc) =	sbr.rel @p1 .LBB2_1-.Ltmp1, $4  }
0x5a: {  	[hbm4b:s6+s2] =	stream.linear.scatter [tilespmem:s19], [sflag:$0x3], $0x800, $0x38;
	[tilespmem:$0x2400] =	vst v63  }
0x5b: {  	_ =	swait.ge [sflag:s10], $0x800  }
0x5c: {  	[sflag:s10] =	ssyncset.done $0x0  }
0x5d: {  	[sflag:s10] =	ssyncadd.s32 $0xFFFFF800  }
0x5e: {  	_ =	sfence.sel $0x180000  }
0x5f: {  	[bflag:$0x0] =	sbarrier.arrive $0xFFFF  }
0x60: {  	_ =	strace $0x90000047  }
0x61: {  	s0 =	sadd.s32 @!p0 $0x100000, s0;
	[bflag:$0x2] =	sbarrier.arrive $0xFFFF  }
0x62: {  	[sflag:s0] =	ssyncadd.tile.s32 @!p0 $0x1;
	_ =	shalt  }
.Lfunc_end2:
_tile_overlayer_lowered:
.L_overlay_start_2:
0x63: {  	(tag) =	ssettag $0x2  }
0x64: {  	s0 =	rddreg [dreg:$0x0];
	s2 =	stileid.u32  }
0x65: {  	s1 =	rddreg [dreg:$0x1];
	p0 =	sne.s32 s2, $0x0  }
0x66: {  	s3 =	rddreg [dreg:$0x2];
	[bflag:$0x3] =	sbarrier.arrive $0xFFFF;
	s2 =	simm.s32 @!p0 $0x1C03  }
0x67: {  	[timem:s3], [sflag:s2] =	dma.local @!p0 [hbm:s0], s1  }
0x68: {  	s0 =	simm.s32 @!p0 $0x3  }
0x69: {  	_ =	swait.ge @!p0 [sflag:s0], s1  }
0x6a: {  	s1 =	ssub.s32 @!p0 $0x0, s1;
	[sflag:s0] =	ssyncset.done @!p0 $0x0  }
0x6b: {  	[sflag:s0] =	ssyncadd.s32 @!p0 s1  }
0x6c: {  	[bflag:$0x3] =	sbarrier.arrive $0xFFFF  }
0x6d: {  	_ =	shalt  }

</sc_bundles>
